<compile_context>
chip_gen: v7x
topology: tpu7x:2x2x1
jax: 0.10.2.dev20260603
libtpu: 0.0.44.dev20260713+nightly
codegen_flags: <defaults>
</compile_context>

<pallas_src>
import functools

import jax
import jax.numpy as jnp
from jax import lax
from jax.experimental import pallas as pl
from jax.experimental.pallas import tpu as pltpu
from jax.experimental.pallas import tpu_sc as plsc

B = 4096
L = 50
F = 13
V = 100000
D = 16
C = 16

NC = 2
NS = 16
NW = NC * NS
BPW = B // NW


def _zero_racc(racc_v):
    def zero16(i, _):
        racc_v[i] = jnp.zeros((D,), jnp.float32)
        return 0

    lax.fori_loop(0, BPW, zero16, 0)


def _accumulate(racc_v, rows_v, wf):
    def acc8(i, _):
        for j in range(8):
            plsc.addupdate(racc_v.at[i * 8 + j], rows_v[i * 8 + j] * wf)
        return 0

    lax.fori_loop(0, BPW // 8, acc8, 0)


def _flat_gather_pass(idx_src, table, woff, b0, w_v, idx_v, rows_v, racc_v,
                      sem):
    def fbody(f, _):
        pltpu.sync_copy(idx_src.at[pl.ds(f * B + b0, BPW)], idx_v)

        def add16(k, _):
            s = pl.ds(k * 16, 16)
            idx_v[s] = idx_v[s] + f * V
            return 0

        lax.fori_loop(0, BPW // 16, add16, 0)
        pltpu.async_copy(table.at[idx_v], rows_v, sem).wait()
        wf = w_v[pl.ds(woff + f * D, D)]
        _accumulate(racc_v, rows_v, wf)
        return 0

    lax.fori_loop(0, F, fbody, 0)


def _reduce_out(racc_v, acc_v, out, b0):
    lanes = lax.iota(jnp.int32, 16)

    def red(i, _):
        rows16 = lanes + i * 16
        s = jnp.zeros((16,), jnp.float32)
        for d in range(D):
            col = jnp.full((16,), d, jnp.int32)
            s = s + plsc.load_gather(racc_v, [rows16, col])
        acc_v[pl.ds(i * 16, 16)] = s
        return 0

    lax.fori_loop(0, BPW // 16, red, 0)
    pltpu.sync_copy(acc_v, out.at[pl.ds(b0, BPW)])


def _sc_main_body(ubs_t, tgt_f, item2d, wcat, out,
                  w_v, gidx_v, idx_v, rows_a, rows_b, racc_v, acc_v,
                  sem_a, sem_b):
    wid = lax.axis_index("s") * NC + lax.axis_index("c")
    b0 = wid * BPW

    pltpu.sync_copy(wcat, w_v)
    _zero_racc(racc_v)

    def fbody(f, _):
        pltpu.sync_copy(ubs_t.at[f, :, pl.ds(b0, BPW)], gidx_v)
        wf = w_v[pl.ds(F * D + f * D, D)]
        fv = f * V

        def bias_row(l, _):
            def add16(k, _):
                s = pl.ds(k * 16, 16)
                gidx_v[l, s] = gidx_v[l, s] + fv
                return 0

            lax.fori_loop(0, BPW // 16, add16, 0)
            return 0

        lax.fori_loop(0, L, bias_row, 0)

        pltpu.async_copy(item2d.at[gidx_v.at[0]], rows_a, sem_a)

        def lbody(l, _):
            @pl.when(l % 2 == 0)
            def _():
                @pl.when(l + 1 < L)
                def _():
                    pltpu.async_copy(item2d.at[gidx_v.at[l + 1]], rows_b,
                                     sem_b)
                pltpu.make_async_copy(item2d.at[gidx_v.at[l]], rows_a,
                                      sem_a).wait()
                _accumulate(racc_v, rows_a, wf)

            @pl.when(l % 2 == 1)
            def _():
                @pl.when(l + 1 < L)
                def _():
                    pltpu.async_copy(item2d.at[gidx_v.at[l + 1]], rows_a,
                                     sem_a)
                pltpu.make_async_copy(item2d.at[gidx_v.at[l]], rows_b,
                                      sem_b).wait()
                _accumulate(racc_v, rows_b, wf)

            return 0

        lax.fori_loop(0, L, lbody, 0)
        return 0

    lax.fori_loop(0, F, fbody, 0)

    _flat_gather_pass(tgt_f, item2d, 0, b0, w_v, idx_v, rows_a, racc_v,
                      sem_a)

    _reduce_out(racc_v, acc_v, out, b0)


def _sc_prof_body(prof_f, prof2d, wcat, out,
                  w_v, idx_v, rows_a, racc_v, acc_v, sem_a):
    wid = lax.axis_index("s") * NC + lax.axis_index("c")
    b0 = wid * BPW

    pltpu.sync_copy(wcat, w_v)
    _zero_racc(racc_v)
    _flat_gather_pass(prof_f, prof2d, 2 * F * D, b0, w_v, idx_v, rows_a,
                      racc_v, sem_a)
    _reduce_out(racc_v, acc_v, out, b0)


_SC_PARAMS = dict(
    out_type=jax.ShapeDtypeStruct((B,), jnp.float32),
    compiler_params=pltpu.CompilerParams(needs_layout_passes=False,
                                         use_tc_tiling_on_sc=False),
)


@functools.cache
def _sc_fns():
    mesh = plsc.VectorSubcoreMesh(core_axis_name="c", subcore_axis_name="s",
                                  num_cores=NC, num_subcores=NS)
    main = functools.partial(
        pl.kernel,
        mesh=mesh,
        scratch_types=[
            pltpu.VMEM((3 * F * D,), jnp.float32),
            pltpu.VMEM((L, BPW), jnp.int32),
            pltpu.VMEM((BPW,), jnp.int32),
            pltpu.VMEM((BPW, D), jnp.float32),
            pltpu.VMEM((BPW, D), jnp.float32),
            pltpu.VMEM((BPW, D), jnp.float32),
            pltpu.VMEM((BPW,), jnp.float32),
            pltpu.SemaphoreType.DMA,
            pltpu.SemaphoreType.DMA,
        ],
        **_SC_PARAMS,
    )(_sc_main_body)
    prof = functools.partial(
        pl.kernel,
        mesh=mesh,
        scratch_types=[
            pltpu.VMEM((3 * F * D,), jnp.float32),
            pltpu.VMEM((BPW,), jnp.int32),
            pltpu.VMEM((BPW, D), jnp.float32),
            pltpu.VMEM((BPW, D), jnp.float32),
            pltpu.VMEM((BPW,), jnp.float32),
            pltpu.SemaphoreType.DMA,
        ],
        **_SC_PARAMS,
    )(_sc_prof_body)
    return main, prof


def _head_body(s1_ref, s2_ref, ctx_ref, wc_ref, b_ref, o_ref):
    c = jnp.dot(ctx_ref[...], wc_ref[...], preferred_element_type=jnp.float32)
    logit = (s1_ref[0] + s2_ref[0])[:, None] + c + b_ref[0, 0]
    o_ref[...] = jax.nn.sigmoid(logit)


def _head(s1, s2, context, wc, bias):
    return pl.pallas_call(
        _head_body,
        out_shape=jax.ShapeDtypeStruct((B, 1), jnp.float32),
    )(s1, s2, context, wc, bias)


def kernel(target_ad, ubs_feature, profile_feature, context_feature,
           item_emb, profile_emb, W, b):
    wt = W[:F * D, 0]
    wu = W[F * D:2 * F * D, 0] / L
    wp = W[2 * F * D:3 * F * D, 0]
    wc = W[3 * F * D:, :]
    wcat = jnp.concatenate([wt, wu, wp])

    item2d = item_emb.reshape(F * V, D)
    prof2d = profile_emb.reshape(F * V, D)
    ubs_t = jnp.transpose(ubs_feature, (2, 1, 0))
    tgt_f = target_ad.T.reshape(F * B)
    prof_f = profile_feature.T.reshape(F * B)

    main_fn, prof_fn = _sc_fns()
    s1 = main_fn(ubs_t, tgt_f, item2d, wcat)
    s2 = prof_fn(prof_f, prof2d, wcat)

    return _head(s1.reshape(1, B), s2.reshape(1, B), context_feature, wc,
                 b.reshape(1, 1))

# --- scband reference (transcript-rebuilt; emitter-appended) ---
"""Pipeline reference for scband-logistical-regression-5626407157918 (READ-ONLY COPY).

The authoritative reference and input builder live on the scoring server;
editing this copy changes nothing except your own understanding.
"""

import jax, jax.numpy as jnp
import numpy as np

B = 4096
L = 50
F = 13
V = 100000
D = 16
C = 16
LR_IN = 3 * F * D + C


def setup_inputs(seed: int = 0) -> dict:
    key = jax.random.key(seed)
    ks = jax.random.split(key, 8)
    target_ad = jax.random.randint(ks[0], (B, F), 0, V, dtype=jnp.int32)
    ubs_feature = jax.random.randint(ks[1], (B, L, F), 0, V, dtype=jnp.int32)
    profile_feature = jax.random.randint(ks[2], (B, F), 0, V, dtype=jnp.int32)
    context_feature = jax.random.normal(ks[3], (B, C), dtype=jnp.float32)
    # Learned params: one [V, D] table per field; all vocabs equal so stack them.
    item_emb = jax.random.normal(ks[4], (F, V, D), dtype=jnp.float32) * 0.05
    profile_emb = jax.random.normal(ks[5], (F, V, D), dtype=jnp.float32) * 0.05
    W = jax.random.normal(ks[6], (LR_IN, 1), dtype=jnp.float32) * 0.02
    b = jnp.zeros((1,), dtype=jnp.float32)
    return {
        "target_ad": target_ad,
        "ubs_feature": ubs_feature,
        "profile_feature": profile_feature,
        "context_feature": context_feature,
        "item_emb": item_emb,
        "profile_emb": profile_emb,
        "W": W,
        "b": b,
    }


def reference(target_ad, ubs_feature, profile_feature, context_feature, item_emb, profile_emb, W, b):
    # Per-field embedding lookups, concatenated along the field axis (axis=-2 in TF).
    tgt = jnp.stack([jnp.take(item_emb[i], target_ad[:, i], axis=0) for i in range(F)], axis=1)  # [B, F, D]
    ubs = jnp.stack([jnp.take(item_emb[i], ubs_feature[:, :, i], axis=0) for i in range(F)], axis=2)  # [B, L, F, D]
    prof = jnp.stack([jnp.take(profile_emb[i], profile_feature[:, i], axis=0) for i in range(F)], axis=1)  # [B, F, D]
    ubs_mean = jnp.mean(ubs, axis=1)  # [B, F, D]
    total_emb = jnp.concatenate([
        tgt.reshape(B, -1),
        ubs_mean.reshape(B, -1),
        prof.reshape(B, -1),
        context_feature,
    ], axis=-1)  # [B, 3*F*D + C]
    out = jax.nn.sigmoid(total_emb @ W + b)  # [B, 1]
    return out

if __name__ == "__main__":
    import jax
    _d = setup_inputs()
    print(jax.jit(kernel)(*tuple(_d.values())))

</pallas_src>

<mosaic_0001>
#map = affine_map<(d0, d1) -> (0)>
#map1 = affine_map<(d0, d1) -> (0, 0)>
module attributes {stable_mosaic.version = 14 : i64} {
  func.func @_sc_prof_body(%arg0: i32, %arg1: i32, %arg2: memref<53248xi32, #tpu.memory_space<hbm>>, %arg3: memref<1300000x16xf32, #tpu.memory_space<hbm>>, %arg4: memref<624xf32, #tpu.memory_space<hbm>>, %arg5: memref<4096xf32, #tpu.memory_space<hbm>>, %arg6: memref<624xf32, #tpu.memory_space<vmem>>, %arg7: memref<128xi32, #tpu.memory_space<vmem>>, %arg8: memref<128x16xf32, #tpu.memory_space<vmem>>, %arg9: memref<128x16xf32, #tpu.memory_space<vmem>>, %arg10: memref<128xf32, #tpu.memory_space<vmem>>, %arg11: memref<!tpu.dma_semaphore, #tpu.memory_space<semaphore_mem>>) attributes {dimension_semantics = [#tpu.dimension_semantics<core_parallel>, #tpu.dimension_semantics<subcore_parallel>], iteration_bounds = array<i64: 2, 16>, scalar_prefetch = 0 : i64, scratch_operands = 6 : i64, tpu.core_type = #tpu.core_type<sc_vector_subcore>, window_params = [{transform_indices = #map}, {transform_indices = #map1}, {transform_indices = #map}, {transform_indices = #map}]} {
    %mul3A = arith.constant 2 : i32
    %mul3A_0 = arith.muli %arg1, %mul3A : i32
    %add3A = arith.addi %mul3A_0, %arg0 : i32
    %mul3A_1 = arith.constant 128 : i32
    %mul3A_2 = arith.muli %add3A, %mul3A_1 : i32
    "tpu.region"() ({
      %run_scoped3A = tpu.sem_alloc : memref<!tpu.dma_semaphore, #tpu.memory_space<semaphore_mem>>
      tpu.enqueue_dma source(%arg4 : memref<624xf32, #tpu.memory_space<hbm>>) target(%arg6 : memref<624xf32, #tpu.memory_space<vmem>>) target_semaphore(%run_scoped3A : memref<!tpu.dma_semaphore, #tpu.memory_space<semaphore_mem>>)
      tpu.wait_dma2 semaphore(%run_scoped3A : memref<!tpu.dma_semaphore, #tpu.memory_space<semaphore_mem>>) src(%arg4 : memref<624xf32, #tpu.memory_space<hbm>>) dst(%arg6 : memref<624xf32, #tpu.memory_space<vmem>>)
      tpu.yield
    }) : () -> ()
    %scan3A = arith.constant 0 : i32
    %scan3A_3 = arith.constant 0 : i32
    %scan3A_4 = arith.constant 128 : i32
    %scan3A_5 = arith.addi %scan3A_3, %scan3A_4 : i32
    %scan3A_6 = arith.constant 1 : i32
    %scan3A_7 = scf.for %scan3A_23 = %scan3A_3 to %scan3A_5 step %scan3A_6 iter_args(%scan3A_24 = %scan3A) -> (i32)  : i32 {
      %broadcast_in_dim3A = arith.constant 0.000000e+00 : f32
      %broadcast_in_dim3A_25 = vector.broadcast %broadcast_in_dim3A : f32 to vector<16xf32>
      %swap3A = arith.index_cast %scan3A_23 : i32 to index
      %swap3A_26 = arith.constant 0 : index
      %swap3A_27 = tpu.vector_load %arg9[%swap3A, %swap3A_26] {strides = array<i32>} : memref<128x16xf32, #tpu.memory_space<vmem>>, vector<16xf32>,
      tpu.vector_store %arg9[%swap3A, %swap3A_26], %broadcast_in_dim3A_25 {strides = array<i32>} : memref<128x16xf32, #tpu.memory_space<vmem>>, vector<16xf32>,
      %scan3A_28 = arith.constant 0 : i32
      scf.yield %scan3A_28 : i32
    }
    %scan3A_8 = arith.constant 128 : i32
    %scan3A_9 = arith.constant 0 : i32
    %scan3A_10 = arith.constant 0 : i32
    %scan3A_11 = arith.constant 13 : i32
    %scan3A_12 = arith.addi %scan3A_10, %scan3A_11 : i32
    %scan3A_13 = arith.constant 1 : i32
    %scan3A_14 = scf.for %scan3A_23 = %scan3A_10 to %scan3A_12 step %scan3A_13 iter_args(%scan3A_24 = %scan3A_9) -> (i32)  : i32 {
      %mul3A_25 = arith.constant 4096 : i32
      %mul3A_26 = arith.muli %scan3A_23, %mul3A_25 : i32
      %add3A_27 = arith.addi %mul3A_26, %mul3A_2 : i32
      "tpu.region"() ({
        %run_scoped3A = tpu.sem_alloc : memref<!tpu.dma_semaphore, #tpu.memory_space<semaphore_mem>>
        %dma_start3A_52 = tpu.memref_slice %arg2[%add3A_27] : memref<53248xi32, #tpu.memory_space<hbm>> -> memref<128xi32, #tpu.memory_space<hbm>>
        %dma_start3A_53 = tpu.memref_slice %arg2[%add3A_27] : memref<53248xi32, #tpu.memory_space<hbm>> -> memref<128xi32, #tpu.memory_space<hbm>>
        tpu.enqueue_dma source(%dma_start3A_53 : memref<128xi32, #tpu.memory_space<hbm>>) target(%arg7 : memref<128xi32, #tpu.memory_space<vmem>>) target_semaphore(%run_scoped3A : memref<!tpu.dma_semaphore, #tpu.memory_space<semaphore_mem>>)
        %dma_wait3A_54 = tpu.memref_slice %arg2[%add3A_27] : memref<53248xi32, #tpu.memory_space<hbm>> -> memref<128xi32, #tpu.memory_space<hbm>>
        %dma_wait3A_55 = tpu.memref_slice %arg2[%add3A_27] : memref<53248xi32, #tpu.memory_space<hbm>> -> memref<128xi32, #tpu.memory_space<hbm>>
        tpu.wait_dma2 semaphore(%run_scoped3A : memref<!tpu.dma_semaphore, #tpu.memory_space<semaphore_mem>>) src(%dma_wait3A_55 : memref<128xi32, #tpu.memory_space<hbm>>) dst(%arg7 : memref<128xi32, #tpu.memory_space<vmem>>)
        tpu.yield
      }) : () -> ()
      %scan3A_28 = arith.constant 0 : i32
      %scan3A_29 = arith.constant 0 : i32
      %scan3A_30 = arith.constant 8 : i32
      %scan3A_31 = arith.addi %scan3A_29, %scan3A_30 : i32
      %scan3A_32 = arith.constant 1 : i32
      %scan3A_33 = scf.for %scan3A_52 = %scan3A_29 to %scan3A_31 step %scan3A_32 iter_args(%scan3A_53 = %scan3A_28) -> (i32)  : i32 {
        %mul3A_54 = arith.constant 16 : i32
        %mul3A_55 = arith.muli %scan3A_52, %mul3A_54 : i32
        %get3A_56 = arith.index_cast %mul3A_55 : i32 to index
        %get3A_57 = tpu.vector_load %arg7[%get3A_56] {strides = array<i32>} : memref<128xi32, #tpu.memory_space<vmem>>, vector<16xi32>,
        %mul3A_58 = arith.constant 100000 : i32
        %mul3A_59 = arith.muli %scan3A_23, %mul3A_58 : i32
        %add3A_60 = vector.broadcast %mul3A_59 : i32 to vector<16xi32>
        %add3A_61 = arith.addi %get3A_57, %add3A_60 : vector<16xi32>
        %swap3A = arith.index_cast %mul3A_55 : i32 to index
        %swap3A_62 = tpu.vector_load %arg7[%swap3A] {strides = array<i32>} : memref<128xi32, #tpu.memory_space<vmem>>, vector<16xi32>,
        tpu.vector_store %arg7[%swap3A], %add3A_61 {strides = array<i32>} : memref<128xi32, #tpu.memory_space<vmem>>, vector<16xi32>,
        %scan3A_63 = arith.constant 0 : i32
        scf.yield %scan3A_63 : i32
      }
      %scan3A_34 = arith.constant 8 : i32
      %dma_start3A = arith.constant 0 : i32
      %dma_start3A_35 = arith.constant 0 : i32
      %dma_start3A_36 = tpu.memref_slice %arg3[%dma_start3A, %dma_start3A_35] : memref<1300000x16xf32, #tpu.memory_space<hbm>> -> memref<1300000x16xf32, #tpu.memory_space<hbm>>
      tpu.enqueue_indirect_dma source(%dma_start3A_36 : memref<1300000x16xf32, #tpu.memory_space<hbm>>) target(%arg8 : memref<128x16xf32, #tpu.memory_space<vmem>>) offsets(%arg7 : memref<128xi32, #tpu.memory_space<vmem>>) semaphore(%arg11 : memref<!tpu.dma_semaphore, #tpu.memory_space<semaphore_mem>>)
      %dma_wait3A = arith.constant 0 : i32
      %dma_wait3A_37 = arith.constant 0 : i32
      %dma_wait3A_38 = tpu.memref_slice %arg3[%dma_wait3A, %dma_wait3A_37] : memref<1300000x16xf32, #tpu.memory_space<hbm>> -> memref<1300000x16xf32, #tpu.memory_space<hbm>>
      tpu.wait_indirect_dma semaphore(%arg11 : memref<!tpu.dma_semaphore, #tpu.memory_space<semaphore_mem>>) src(%dma_wait3A_38 : memref<1300000x16xf32, #tpu.memory_space<hbm>>) dst(%arg8 : memref<128x16xf32, #tpu.memory_space<vmem>>)
      %mul3A_39 = arith.constant 16 : i32
      %mul3A_40 = arith.muli %scan3A_23, %mul3A_39 : i32
      %add3A_41 = arith.constant 416 : i32
      %add3A_42 = arith.addi %add3A_41, %mul3A_40 : i32
      %get3A = arith.index_cast %add3A_42 : i32 to index
      %get3A_43 = tpu.vector_load %arg6[%get3A] {strides = array<i32>} : memref<624xf32, #tpu.memory_space<vmem>>, vector<16xf32>,
      %scan3A_44 = arith.constant 0 : i32
      %scan3A_45 = arith.constant 0 : i32
      %scan3A_46 = arith.constant 16 : i32
      %scan3A_47 = arith.addi %scan3A_45, %scan3A_46 : i32
      %scan3A_48 = arith.constant 1 : i32
      %scan3A_49 = scf.for %scan3A_52 = %scan3A_45 to %scan3A_47 step %scan3A_48 iter_args(%scan3A_53 = %scan3A_44) -> (i32)  : i32 {
        %mul3A_54 = arith.constant 8 : i32
        %mul3A_55 = arith.muli %scan3A_52, %mul3A_54 : i32
        %add3A_56 = arith.constant 0 : i32
        %add3A_57 = arith.addi %mul3A_55, %add3A_56 : i32
        %mul3A_58 = arith.constant 8 : i32
        %mul3A_59 = arith.muli %scan3A_52, %mul3A_58 : i32
        %add3A_60 = arith.constant 0 : i32
        %add3A_61 = arith.addi %mul3A_59, %add3A_60 : i32
        %get3A_62 = arith.index_cast %add3A_61 : i32 to index
        %get3A_63 = arith.constant 0 : index
        %get3A_64 = tpu.vector_load %arg8[%get3A_62, %get3A_63] {strides = array<i32>} : memref<128x16xf32, #tpu.memory_space<vmem>>, vector<16xf32>,
        %mul3A_65 = arith.mulf %get3A_64, %get3A_43 : vector<16xf32>
        %swap3A = arith.index_cast %add3A_57 : i32 to index
        %swap3A_66 = arith.constant 0 : index
        %swap3A_67 = tpu.vector_load %arg9[%swap3A, %swap3A_66] {strides = array<i32>} : memref<128x16xf32, #tpu.memory_space<vmem>>, vector<16xf32>,
        tpu.vector_store %arg9[%swap3A, %swap3A_66], %mul3A_65 {add = true, strides = array<i32>} : memref<128x16xf32, #tpu.memory_space<vmem>>, vector<16xf32>,
        %mul3A_68 = arith.constant 8 : i32
        %mul3A_69 = arith.muli %scan3A_52, %mul3A_68 : i32
        %add3A_70 = arith.constant 1 : i32
        %add3A_71 = arith.addi %mul3A_69, %add3A_70 : i32
        %mul3A_72 = arith.constant 8 : i32
        %mul3A_73 = arith.muli %scan3A_52, %mul3A_72 : i32
        %add3A_74 = arith.constant 1 : i32
        %add3A_75 = arith.addi %mul3A_73, %add3A_74 : i32
        %get3A_76 = arith.index_cast %add3A_75 : i32 to index
        %get3A_77 = arith.constant 0 : index
        %get3A_78 = tpu.vector_load %arg8[%get3A_76, %get3A_77] {strides = array<i32>} : memref<128x16xf32, #tpu.memory_space<vmem>>, vector<16xf32>,
        %mul3A_79 = arith.mulf %get3A_78, %get3A_43 : vector<16xf32>
        %swap3A_80 = arith.index_cast %add3A_71 : i32 to index
        %swap3A_81 = arith.constant 0 : index
        %swap3A_82 = tpu.vector_load %arg9[%swap3A_80, %swap3A_81] {strides = array<i32>} : memref<128x16xf32, #tpu.memory_space<vmem>>, vector<16xf32>,
        tpu.vector_store %arg9[%swap3A_80, %swap3A_81], %mul3A_79 {add = true, strides = array<i32>} : memref<128x16xf32, #tpu.memory_space<vmem>>, vector<16xf32>,
        %mul3A_83 = arith.constant 8 : i32
        %mul3A_84 = arith.muli %scan3A_52, %mul3A_83 : i32
        %add3A_85 = arith.constant 2 : i32
        %add3A_86 = arith.addi %mul3A_84, %add3A_85 : i32
        %mul3A_87 = arith.constant 8 : i32
        %mul3A_88 = arith.muli %scan3A_52, %mul3A_87 : i32
        %add3A_89 = arith.constant 2 : i32
        %add3A_90 = arith.addi %mul3A_88, %add3A_89 : i32
        %get3A_91 = arith.index_cast %add3A_90 : i32 to index
        %get3A_92 = arith.constant 0 : index
        %get3A_93 = tpu.vector_load %arg8[%get3A_91, %get3A_92] {strides = array<i32>} : memref<128x16xf32, #tpu.memory_space<vmem>>, vector<16xf32>,
        %mul3A_94 = arith.mulf %get3A_93, %get3A_43 : vector<16xf32>
        %swap3A_95 = arith.index_cast %add3A_86 : i32 to index
        %swap3A_96 = arith.constant 0 : index
        %swap3A_97 = tpu.vector_load %arg9[%swap3A_95, %swap3A_96] {strides = array<i32>} : memref<128x16xf32, #tpu.memory_space<vmem>>, vector<16xf32>,
        tpu.vector_store %arg9[%swap3A_95, %swap3A_96], %mul3A_94 {add = true, strides = array<i32>} : memref<128x16xf32, #tpu.memory_space<vmem>>, vector<16xf32>,
        %mul3A_98 = arith.constant 8 : i32
        %mul3A_99 = arith.muli %scan3A_52, %mul3A_98 : i32
        %add3A_100 = arith.constant 3 : i32
        %add3A_101 = arith.addi %mul3A_99, %add3A_100 : i32
        %mul3A_102 = arith.constant 8 : i32
        %mul3A_103 = arith.muli %scan3A_52, %mul3A_102 : i32
        %add3A_104 = arith.constant 3 : i32
        %add3A_105 = arith.addi %mul3A_103, %add3A_104 : i32
        %get3A_106 = arith.index_cast %add3A_105 : i32 to index
        %get3A_107 = arith.constant 0 : index
        %get3A_108 = tpu.vector_load %arg8[%get3A_106, %get3A_107] {strides = array<i32>} : memref<128x16xf32, #tpu.memory_space<vmem>>, vector<16xf32>,
        %mul3A_109 = arith.mulf %get3A_108, %get3A_43 : vector<16xf32>
        %swap3A_110 = arith.index_cast %add3A_101 : i32 to index
        %swap3A_111 = arith.constant 0 : index
        %swap3A_112 = tpu.vector_load %arg9[%swap3A_110, %swap3A_111] {strides = array<i32>} : memref<128x16xf32, #tpu.memory_space<vmem>>, vector<16xf32>,
        tpu.vector_store %arg9[%swap3A_110, %swap3A_111], %mul3A_109 {add = true, strides = array<i32>} : memref<128x16xf32, #tpu.memory_space<vmem>>, vector<16xf32>,
        %mul3A_113 = arith.constant 8 : i32
        %mul3A_114 = arith.muli %scan3A_52, %mul3A_113 : i32
        %add3A_115 = arith.constant 4 : i32
        %add3A_116 = arith.addi %mul3A_114, %add3A_115 : i32
        %mul3A_117 = arith.constant 8 : i32
        %mul3A_118 = arith.muli %scan3A_52, %mul3A_117 : i32
        %add3A_119 = arith.constant 4 : i32
        %add3A_120 = arith.addi %mul3A_118, %add3A_119 : i32
        %get3A_121 = arith.index_cast %add3A_120 : i32 to index
        %get3A_122 = arith.constant 0 : index
        %get3A_123 = tpu.vector_load %arg8[%get3A_121, %get3A_122] {strides = array<i32>} : memref<128x16xf32, #tpu.memory_space<vmem>>, vector<16xf32>,
        %mul3A_124 = arith.mulf %get3A_123, %get3A_43 : vector<16xf32>
        %swap3A_125 = arith.index_cast %add3A_116 : i32 to index
        %swap3A_126 = arith.constant 0 : index
        %swap3A_127 = tpu.vector_load %arg9[%swap3A_125, %swap3A_126] {strides = array<i32>} : memref<128x16xf32, #tpu.memory_space<vmem>>, vector<16xf32>,
        tpu.vector_store %arg9[%swap3A_125, %swap3A_126], %mul3A_124 {add = true, strides = array<i32>} : memref<128x16xf32, #tpu.memory_space<vmem>>, vector<16xf32>,
        %mul3A_128 = arith.constant 8 : i32
        %mul3A_129 = arith.muli %scan3A_52, %mul3A_128 : i32
        %add3A_130 = arith.constant 5 : i32
        %add3A_131 = arith.addi %mul3A_129, %add3A_130 : i32
        %mul3A_132 = arith.constant 8 : i32
        %mul3A_133 = arith.muli %scan3A_52, %mul3A_132 : i32
        %add3A_134 = arith.constant 5 : i32
        %add3A_135 = arith.addi %mul3A_133, %add3A_134 : i32
        %get3A_136 = arith.index_cast %add3A_135 : i32 to index
        %get3A_137 = arith.constant 0 : index
        %get3A_138 = tpu.vector_load %arg8[%get3A_136, %get3A_137] {strides = array<i32>} : memref<128x16xf32, #tpu.memory_space<vmem>>, vector<16xf32>,
        %mul3A_139 = arith.mulf %get3A_138, %get3A_43 : vector<16xf32>
        %swap3A_140 = arith.index_cast %add3A_131 : i32 to index
        %swap3A_141 = arith.constant 0 : index
        %swap3A_142 = tpu.vector_load %arg9[%swap3A_140, %swap3A_141] {strides = array<i32>} : memref<128x16xf32, #tpu.memory_space<vmem>>, vector<16xf32>,
        tpu.vector_store %arg9[%swap3A_140, %swap3A_141], %mul3A_139 {add = true, strides = array<i32>} : memref<128x16xf32, #tpu.memory_space<vmem>>, vector<16xf32>,
        %mul3A_143 = arith.constant 8 : i32
        %mul3A_144 = arith.muli %scan3A_52, %mul3A_143 : i32
        %add3A_145 = arith.constant 6 : i32
        %add3A_146 = arith.addi %mul3A_144, %add3A_145 : i32
        %mul3A_147 = arith.constant 8 : i32
        %mul3A_148 = arith.muli %scan3A_52, %mul3A_147 : i32
        %add3A_149 = arith.constant 6 : i32
        %add3A_150 = arith.addi %mul3A_148, %add3A_149 : i32
        %get3A_151 = arith.index_cast %add3A_150 : i32 to index
        %get3A_152 = arith.constant 0 : index
        %get3A_153 = tpu.vector_load %arg8[%get3A_151, %get3A_152] {strides = array<i32>} : memref<128x16xf32, #tpu.memory_space<vmem>>, vector<16xf32>,
        %mul3A_154 = arith.mulf %get3A_153, %get3A_43 : vector<16xf32>
        %swap3A_155 = arith.index_cast %add3A_146 : i32 to index
        %swap3A_156 = arith.constant 0 : index
        %swap3A_157 = tpu.vector_load %arg9[%swap3A_155, %swap3A_156] {strides = array<i32>} : memref<128x16xf32, #tpu.memory_space<vmem>>, vector<16xf32>,
        tpu.vector_store %arg9[%swap3A_155, %swap3A_156], %mul3A_154 {add = true, strides = array<i32>} : memref<128x16xf32, #tpu.memory_space<vmem>>, vector<16xf32>,
        %mul3A_158 = arith.constant 8 : i32
        %mul3A_159 = arith.muli %scan3A_52, %mul3A_158 : i32
        %add3A_160 = arith.constant 7 : i32
        %add3A_161 = arith.addi %mul3A_159, %add3A_160 : i32
        %mul3A_162 = arith.constant 8 : i32
        %mul3A_163 = arith.muli %scan3A_52, %mul3A_162 : i32
        %add3A_164 = arith.constant 7 : i32
        %add3A_165 = arith.addi %mul3A_163, %add3A_164 : i32
        %get3A_166 = arith.index_cast %add3A_165 : i32 to index
        %get3A_167 = arith.constant 0 : index
        %get3A_168 = tpu.vector_load %arg8[%get3A_166, %get3A_167] {strides = array<i32>} : memref<128x16xf32, #tpu.memory_space<vmem>>, vector<16xf32>,
        %mul3A_169 = arith.mulf %get3A_168, %get3A_43 : vector<16xf32>
        %swap3A_170 = arith.index_cast %add3A_161 : i32 to index
        %swap3A_171 = arith.constant 0 : index
        %swap3A_172 = tpu.vector_load %arg9[%swap3A_170, %swap3A_171] {strides = array<i32>} : memref<128x16xf32, #tpu.memory_space<vmem>>, vector<16xf32>,
        tpu.vector_store %arg9[%swap3A_170, %swap3A_171], %mul3A_169 {add = true, strides = array<i32>} : memref<128x16xf32, #tpu.memory_space<vmem>>, vector<16xf32>,
        %scan3A_173 = arith.constant 0 : i32
        scf.yield %scan3A_173 : i32
      }
      %scan3A_50 = arith.constant 16 : i32
      %scan3A_51 = arith.constant 0 : i32
      scf.yield %scan3A_51 : i32
    }
    %scan3A_15 = arith.constant 13 : i32
    %iota3A = tpu.iota {dimensions = array<i32: 0>} : vector<16xi32>
    %scan3A_16 = arith.constant 0 : i32
    %scan3A_17 = arith.constant 0 : i32
    %scan3A_18 = arith.constant 8 : i32
    %scan3A_19 = arith.addi %scan3A_17, %scan3A_18 : i32
    %scan3A_20 = arith.constant 1 : i32
    %scan3A_21 = scf.for %scan3A_23 = %scan3A_17 to %scan3A_19 step %scan3A_20 iter_args(%scan3A_24 = %scan3A_16) -> (i32)  : i32 {
      %mul3A_25 = arith.constant 16 : i32
      %mul3A_26 = arith.muli %scan3A_23, %mul3A_25 : i32
      %add3A_27 = vector.broadcast %mul3A_26 : i32 to vector<16xi32>
      %add3A_28 = arith.addi %iota3A, %add3A_27 : vector<16xi32>
      %broadcast_in_dim3A = arith.constant 0.000000e+00 : f32
      %broadcast_in_dim3A_29 = vector.broadcast %broadcast_in_dim3A : f32 to vector<16xf32>
      %broadcast_in_dim3A_30 = arith.constant 0 : i32
      %broadcast_in_dim3A_31 = vector.broadcast %broadcast_in_dim3A_30 : i32 to vector<16xi32>
      %gather3A = tpu.vector_load_idx %arg9[%add3A_28, %broadcast_in_dim3A_31] : memref<128x16xf32, #tpu.memory_space<vmem>>[vector<16xi32>, vector<16xi32>], vector<16xf32>,
      %add3A_32 = arith.addf %broadcast_in_dim3A_29, %gather3A : vector<16xf32>
      %broadcast_in_dim3A_33 = arith.constant 1 : i32
      %broadcast_in_dim3A_34 = vector.broadcast %broadcast_in_dim3A_33 : i32 to vector<16xi32>
      %gather3A_35 = tpu.vector_load_idx %arg9[%add3A_28, %broadcast_in_dim3A_34] : memref<128x16xf32, #tpu.memory_space<vmem>>[vector<16xi32>, vector<16xi32>], vector<16xf32>,
      %add3A_36 = arith.addf %add3A_32, %gather3A_35 : vector<16xf32>
      %broadcast_in_dim3A_37 = arith.constant 2 : i32
      %broadcast_in_dim3A_38 = vector.broadcast %broadcast_in_dim3A_37 : i32 to vector<16xi32>
      %gather3A_39 = tpu.vector_load_idx %arg9[%add3A_28, %broadcast_in_dim3A_38] : memref<128x16xf32, #tpu.memory_space<vmem>>[vector<16xi32>, vector<16xi32>], vector<16xf32>,
      %add3A_40 = arith.addf %add3A_36, %gather3A_39 : vector<16xf32>
      %broadcast_in_dim3A_41 = arith.constant 3 : i32
      %broadcast_in_dim3A_42 = vector.broadcast %broadcast_in_dim3A_41 : i32 to vector<16xi32>
      %gather3A_43 = tpu.vector_load_idx %arg9[%add3A_28, %broadcast_in_dim3A_42] : memref<128x16xf32, #tpu.memory_space<vmem>>[vector<16xi32>, vector<16xi32>], vector<16xf32>,
      %add3A_44 = arith.addf %add3A_40, %gather3A_43 : vector<16xf32>
      %broadcast_in_dim3A_45 = arith.constant 4 : i32
      %broadcast_in_dim3A_46 = vector.broadcast %broadcast_in_dim3A_45 : i32 to vector<16xi32>
      %gather3A_47 = tpu.vector_load_idx %arg9[%add3A_28, %broadcast_in_dim3A_46] : memref<128x16xf32, #tpu.memory_space<vmem>>[vector<16xi32>, vector<16xi32>], vector<16xf32>,
      %add3A_48 = arith.addf %add3A_44, %gather3A_47 : vector<16xf32>
      %broadcast_in_dim3A_49 = arith.constant 5 : i32
      %broadcast_in_dim3A_50 = vector.broadcast %broadcast_in_dim3A_49 : i32 to vector<16xi32>
      %gather3A_51 = tpu.vector_load_idx %arg9[%add3A_28, %broadcast_in_dim3A_50] : memref<128x16xf32, #tpu.memory_space<vmem>>[vector<16xi32>, vector<16xi32>], vector<16xf32>,
      %add3A_52 = arith.addf %add3A_48, %gather3A_51 : vector<16xf32>
      %broadcast_in_dim3A_53 = arith.constant 6 : i32
      %broadcast_in_dim3A_54 = vector.broadcast %broadcast_in_dim3A_53 : i32 to vector<16xi32>
      %gather3A_55 = tpu.vector_load_idx %arg9[%add3A_28, %broadcast_in_dim3A_54] : memref<128x16xf32, #tpu.memory_space<vmem>>[vector<16xi32>, vector<16xi32>], vector<16xf32>,
      %add3A_56 = arith.addf %add3A_52, %gather3A_55 : vector<16xf32>
      %broadcast_in_dim3A_57 = arith.constant 7 : i32
      %broadcast_in_dim3A_58 = vector.broadcast %broadcast_in_dim3A_57 : i32 to vector<16xi32>
      %gather3A_59 = tpu.vector_load_idx %arg9[%add3A_28, %broadcast_in_dim3A_58] : memref<128x16xf32, #tpu.memory_space<vmem>>[vector<16xi32>, vector<16xi32>], vector<16xf32>,
      %add3A_60 = arith.addf %add3A_56, %gather3A_59 : vector<16xf32>
      %broadcast_in_dim3A_61 = arith.constant 8 : i32
      %broadcast_in_dim3A_62 = vector.broadcast %broadcast_in_dim3A_61 : i32 to vector<16xi32>
      %gather3A_63 = tpu.vector_load_idx %arg9[%add3A_28, %broadcast_in_dim3A_62] : memref<128x16xf32, #tpu.memory_space<vmem>>[vector<16xi32>, vector<16xi32>], vector<16xf32>,
      %add3A_64 = arith.addf %add3A_60, %gather3A_63 : vector<16xf32>
      %broadcast_in_dim3A_65 = arith.constant 9 : i32
      %broadcast_in_dim3A_66 = vector.broadcast %broadcast_in_dim3A_65 : i32 to vector<16xi32>
      %gather3A_67 = tpu.vector_load_idx %arg9[%add3A_28, %broadcast_in_dim3A_66] : memref<128x16xf32, #tpu.memory_space<vmem>>[vector<16xi32>, vector<16xi32>], vector<16xf32>,
      %add3A_68 = arith.addf %add3A_64, %gather3A_67 : vector<16xf32>
      %broadcast_in_dim3A_69 = arith.constant 10 : i32
      %broadcast_in_dim3A_70 = vector.broadcast %broadcast_in_dim3A_69 : i32 to vector<16xi32>
      %gather3A_71 = tpu.vector_load_idx %arg9[%add3A_28, %broadcast_in_dim3A_70] : memref<128x16xf32, #tpu.memory_space<vmem>>[vector<16xi32>, vector<16xi32>], vector<16xf32>,
      %add3A_72 = arith.addf %add3A_68, %gather3A_71 : vector<16xf32>
      %broadcast_in_dim3A_73 = arith.constant 11 : i32
      %broadcast_in_dim3A_74 = vector.broadcast %broadcast_in_dim3A_73 : i32 to vector<16xi32>
      %gather3A_75 = tpu.vector_load_idx %arg9[%add3A_28, %broadcast_in_dim3A_74] : memref<128x16xf32, #tpu.memory_space<vmem>>[vector<16xi32>, vector<16xi32>], vector<16xf32>,
      %add3A_76 = arith.addf %add3A_72, %gather3A_75 : vector<16xf32>
      %broadcast_in_dim3A_77 = arith.constant 12 : i32
      %broadcast_in_dim3A_78 = vector.broadcast %broadcast_in_dim3A_77 : i32 to vector<16xi32>
      %gather3A_79 = tpu.vector_load_idx %arg9[%add3A_28, %broadcast_in_dim3A_78] : memref<128x16xf32, #tpu.memory_space<vmem>>[vector<16xi32>, vector<16xi32>], vector<16xf32>,
      %add3A_80 = arith.addf %add3A_76, %gather3A_79 : vector<16xf32>
      %broadcast_in_dim3A_81 = arith.constant 13 : i32
      %broadcast_in_dim3A_82 = vector.broadcast %broadcast_in_dim3A_81 : i32 to vector<16xi32>
      %gather3A_83 = tpu.vector_load_idx %arg9[%add3A_28, %broadcast_in_dim3A_82] : memref<128x16xf32, #tpu.memory_space<vmem>>[vector<16xi32>, vector<16xi32>], vector<16xf32>,
      %add3A_84 = arith.addf %add3A_80, %gather3A_83 : vector<16xf32>
      %broadcast_in_dim3A_85 = arith.constant 14 : i32
      %broadcast_in_dim3A_86 = vector.broadcast %broadcast_in_dim3A_85 : i32 to vector<16xi32>
      %gather3A_87 = tpu.vector_load_idx %arg9[%add3A_28, %broadcast_in_dim3A_86] : memref<128x16xf32, #tpu.memory_space<vmem>>[vector<16xi32>, vector<16xi32>], vector<16xf32>,
      %add3A_88 = arith.addf %add3A_84, %gather3A_87 : vector<16xf32>
      %broadcast_in_dim3A_89 = arith.constant 15 : i32
      %broadcast_in_dim3A_90 = vector.broadcast %broadcast_in_dim3A_89 : i32 to vector<16xi32>
      %gather3A_91 = tpu.vector_load_idx %arg9[%add3A_28, %broadcast_in_dim3A_90] : memref<128x16xf32, #tpu.memory_space<vmem>>[vector<16xi32>, vector<16xi32>], vector<16xf32>,
      %add3A_92 = arith.addf %add3A_88, %gather3A_91 : vector<16xf32>
      %mul3A_93 = arith.constant 16 : i32
      %mul3A_94 = arith.muli %scan3A_23, %mul3A_93 : i32
      %swap3A = arith.index_cast %mul3A_94 : i32 to index
      %swap3A_95 = tpu.vector_load %arg10[%swap3A] {strides = array<i32>} : memref<128xf32, #tpu.memory_space<vmem>>, vector<16xf32>,
      tpu.vector_store %arg10[%swap3A], %add3A_92 {strides = array<i32>} : memref<128xf32, #tpu.memory_space<vmem>>, vector<16xf32>,
      %scan3A_96 = arith.constant 0 : i32
      scf.yield %scan3A_96 : i32
    }
    %scan3A_22 = arith.constant 8 : i32
    "tpu.region"() ({
      %run_scoped3A = tpu.sem_alloc : memref<!tpu.dma_semaphore, #tpu.memory_space<semaphore_mem>>
      %dma_start3A = tpu.memref_slice %arg5[%mul3A_2] : memref<4096xf32, #tpu.memory_space<hbm>> -> memref<128xf32, #tpu.memory_space<hbm>>
      %dma_start3A_23 = tpu.memref_slice %arg5[%mul3A_2] : memref<4096xf32, #tpu.memory_space<hbm>> -> memref<128xf32, #tpu.memory_space<hbm>>
      tpu.enqueue_dma source(%arg10 : memref<128xf32, #tpu.memory_space<vmem>>) target(%dma_start3A_23 : memref<128xf32, #tpu.memory_space<hbm>>) target_semaphore(%run_scoped3A : memref<!tpu.dma_semaphore, #tpu.memory_space<semaphore_mem>>)
      %dma_wait3A = tpu.memref_slice %arg5[%mul3A_2] : memref<4096xf32, #tpu.memory_space<hbm>> -> memref<128xf32, #tpu.memory_space<hbm>>
      %dma_wait3A_24 = tpu.memref_slice %arg5[%mul3A_2] : memref<4096xf32, #tpu.memory_space<hbm>> -> memref<128xf32, #tpu.memory_space<hbm>>
      tpu.wait_dma2 semaphore(%run_scoped3A : memref<!tpu.dma_semaphore, #tpu.memory_space<semaphore_mem>>) src(%arg10 : memref<128xf32, #tpu.memory_space<vmem>>) dst(%dma_wait3A_24 : memref<128xf32, #tpu.memory_space<hbm>>)
      tpu.yield
    }) : () -> ()
    return
  }
}

#map = affine_map<(d0, d1) -> (0, 0, 0)>
#map1 = affine_map<(d0, d1) -> (0)>
#map2 = affine_map<(d0, d1) -> (0, 0)>
module attributes {stable_mosaic.version = 14 : i64} {
  func.func @_sc_main_body(%arg0: i32, %arg1: i32, %arg2: memref<13x50x4096xi32, #tpu.memory_space<hbm>>, %arg3: memref<53248xi32, #tpu.memory_space<hbm>>, %arg4: memref<1300000x16xf32, #tpu.memory_space<hbm>>, %arg5: memref<624xf32, #tpu.memory_space<hbm>>, %arg6: memref<4096xf32, #tpu.memory_space<hbm>>, %arg7: memref<624xf32, #tpu.memory_space<vmem>>, %arg8: memref<50x128xi32, #tpu.memory_space<vmem>>, %arg9: memref<128xi32, #tpu.memory_space<vmem>>, %arg10: memref<128x16xf32, #tpu.memory_space<vmem>>, %arg11: memref<128x16xf32, #tpu.memory_space<vmem>>, %arg12: memref<128x16xf32, #tpu.memory_space<vmem>>, %arg13: memref<128xf32, #tpu.memory_space<vmem>>, %arg14: memref<!tpu.dma_semaphore, #tpu.memory_space<semaphore_mem>>, %arg15: memref<!tpu.dma_semaphore, #tpu.memory_space<semaphore_mem>>) attributes {dimension_semantics = [#tpu.dimension_semantics<core_parallel>, #tpu.dimension_semantics<subcore_parallel>], iteration_bounds = array<i64: 2, 16>, scalar_prefetch = 0 : i64, scratch_operands = 9 : i64, tpu.core_type = #tpu.core_type<sc_vector_subcore>, window_params = [{transform_indices = #map}, {transform_indices = #map1}, {transform_indices = #map2}, {transform_indices = #map1}, {transform_indices = #map1}]} {
    %mul3A = arith.constant 2 : i32
    %mul3A_0 = arith.muli %arg1, %mul3A : i32
    %add3A = arith.addi %mul3A_0, %arg0 : i32
    %mul3A_1 = arith.constant 128 : i32
    %mul3A_2 = arith.muli %add3A, %mul3A_1 : i32
    "tpu.region"() ({
      %run_scoped3A = tpu.sem_alloc : memref<!tpu.dma_semaphore, #tpu.memory_space<semaphore_mem>>
      tpu.enqueue_dma source(%arg5 : memref<624xf32, #tpu.memory_space<hbm>>) target(%arg7 : memref<624xf32, #tpu.memory_space<vmem>>) target_semaphore(%run_scoped3A : memref<!tpu.dma_semaphore, #tpu.memory_space<semaphore_mem>>)
      tpu.wait_dma2 semaphore(%run_scoped3A : memref<!tpu.dma_semaphore, #tpu.memory_space<semaphore_mem>>) src(%arg5 : memref<624xf32, #tpu.memory_space<hbm>>) dst(%arg7 : memref<624xf32, #tpu.memory_space<vmem>>)
      tpu.yield
    }) : () -> ()
    %scan3A = arith.constant 0 : i32
    %scan3A_3 = arith.constant 0 : i32
    %scan3A_4 = arith.constant 128 : i32
    %scan3A_5 = arith.addi %scan3A_3, %scan3A_4 : i32
    %scan3A_6 = arith.constant 1 : i32
    %scan3A_7 = scf.for %scan3A_30 = %scan3A_3 to %scan3A_5 step %scan3A_6 iter_args(%scan3A_31 = %scan3A) -> (i32)  : i32 {
      %broadcast_in_dim3A = arith.constant 0.000000e+00 : f32
      %broadcast_in_dim3A_32 = vector.broadcast %broadcast_in_dim3A : f32 to vector<16xf32>
      %swap3A = arith.index_cast %scan3A_30 : i32 to index
      %swap3A_33 = arith.constant 0 : index
      %swap3A_34 = tpu.vector_load %arg12[%swap3A, %swap3A_33] {strides = array<i32>} : memref<128x16xf32, #tpu.memory_space<vmem>>, vector<16xf32>,
      tpu.vector_store %arg12[%swap3A, %swap3A_33], %broadcast_in_dim3A_32 {strides = array<i32>} : memref<128x16xf32, #tpu.memory_space<vmem>>, vector<16xf32>,
      %scan3A_35 = arith.constant 0 : i32
      scf.yield %scan3A_35 : i32
    }
    %scan3A_8 = arith.constant 128 : i32
    %scan3A_9 = arith.constant 0 : i32
    %scan3A_10 = arith.constant 0 : i32
    %scan3A_11 = arith.constant 13 : i32
    %scan3A_12 = arith.addi %scan3A_10, %scan3A_11 : i32
    %scan3A_13 = arith.constant 1 : i32
    %scan3A_14 = scf.for %scan3A_30 = %scan3A_10 to %scan3A_12 step %scan3A_13 iter_args(%scan3A_31 = %scan3A_9) -> (i32)  : i32 {
      "tpu.region"() ({
        %run_scoped3A = tpu.sem_alloc : memref<!tpu.dma_semaphore, #tpu.memory_space<semaphore_mem>>
        %dma_start3A_60 = arith.constant 0 : i32
        %dma_start3A_61 = tpu.memref_slice %arg2[%scan3A_30, %dma_start3A_60, %mul3A_2] : memref<13x50x4096xi32, #tpu.memory_space<hbm>> -> memref<1x50x128xi32, #tpu.memory_space<hbm>>
        %dma_start3A_62 = tpu.memref_squeeze %dma_start3A_61 : memref<1x50x128xi32, #tpu.memory_space<hbm>> -> memref<50x128xi32, #tpu.memory_space<hbm>>
        %dma_start3A_63 = arith.constant 0 : i32
        %dma_start3A_64 = tpu.memref_slice %arg2[%scan3A_30, %dma_start3A_63, %mul3A_2] : memref<13x50x4096xi32, #tpu.memory_space<hbm>> -> memref<1x50x128xi32, #tpu.memory_space<hbm>>
        %dma_start3A_65 = tpu.memref_squeeze %dma_start3A_64 : memref<1x50x128xi32, #tpu.memory_space<hbm>> -> memref<50x128xi32, #tpu.memory_space<hbm>>
        tpu.enqueue_dma source(%dma_start3A_65 : memref<50x128xi32, #tpu.memory_space<hbm>>) target(%arg8 : memref<50x128xi32, #tpu.memory_space<vmem>>) target_semaphore(%run_scoped3A : memref<!tpu.dma_semaphore, #tpu.memory_space<semaphore_mem>>)
        %dma_wait3A = arith.constant 0 : i32
        %dma_wait3A_66 = tpu.memref_slice %arg2[%scan3A_30, %dma_wait3A, %mul3A_2] : memref<13x50x4096xi32, #tpu.memory_space<hbm>> -> memref<1x50x128xi32, #tpu.memory_space<hbm>>
        %dma_wait3A_67 = tpu.memref_squeeze %dma_wait3A_66 : memref<1x50x128xi32, #tpu.memory_space<hbm>> -> memref<50x128xi32, #tpu.memory_space<hbm>>
        %dma_wait3A_68 = arith.constant 0 : i32
        %dma_wait3A_69 = tpu.memref_slice %arg2[%scan3A_30, %dma_wait3A_68, %mul3A_2] : memref<13x50x4096xi32, #tpu.memory_space<hbm>> -> memref<1x50x128xi32, #tpu.memory_space<hbm>>
        %dma_wait3A_70 = tpu.memref_squeeze %dma_wait3A_69 : memref<1x50x128xi32, #tpu.memory_space<hbm>> -> memref<50x128xi32, #tpu.memory_space<hbm>>
        tpu.wait_dma2 semaphore(%run_scoped3A : memref<!tpu.dma_semaphore, #tpu.memory_space<semaphore_mem>>) src(%dma_wait3A_70 : memref<50x128xi32, #tpu.memory_space<hbm>>) dst(%arg8 : memref<50x128xi32, #tpu.memory_space<vmem>>)
        tpu.yield
      }) : () -> ()
      %mul3A_32 = arith.constant 16 : i32
      %mul3A_33 = arith.muli %scan3A_30, %mul3A_32 : i32
      %add3A_34 = arith.constant 208 : i32
      %add3A_35 = arith.addi %add3A_34, %mul3A_33 : i32
      %get3A = arith.index_cast %add3A_35 : i32 to index
      %get3A_36 = tpu.vector_load %arg7[%get3A] {strides = array<i32>} : memref<624xf32, #tpu.memory_space<vmem>>, vector<16xf32>,
      %mul3A_37 = arith.constant 100000 : i32
      %mul3A_38 = arith.muli %scan3A_30, %mul3A_37 : i32
      %scan3A_39 = arith.constant 0 : i32
      %scan3A_40 = arith.constant 0 : i32
      %scan3A_41 = arith.constant 50 : i32
      %scan3A_42 = arith.addi %scan3A_40, %scan3A_41 : i32
      %scan3A_43 = arith.constant 1 : i32
      %scan3A_44 = scf.for %scan3A_60 = %scan3A_40 to %scan3A_42 step %scan3A_43 iter_args(%scan3A_61 = %scan3A_39) -> (i32)  : i32 {
        %scan3A_62 = arith.constant 0 : i32
        %scan3A_63 = arith.constant 0 : i32
        %scan3A_64 = arith.constant 8 : i32
        %scan3A_65 = arith.addi %scan3A_63, %scan3A_64 : i32
        %scan3A_66 = arith.constant 1 : i32
        %scan3A_67 = scf.for %scan3A_70 = %scan3A_63 to %scan3A_65 step %scan3A_66 iter_args(%scan3A_71 = %scan3A_62) -> (i32)  : i32 {
          %mul3A_72 = arith.constant 16 : i32
          %mul3A_73 = arith.muli %scan3A_70, %mul3A_72 : i32
          %get3A_74 = arith.index_cast %scan3A_60 : i32 to index
          %get3A_75 = arith.index_cast %mul3A_73 : i32 to index
          %get3A_76 = tpu.vector_load %arg8[%get3A_74, %get3A_75] {strides = array<i32>} : memref<50x128xi32, #tpu.memory_space<vmem>>, vector<16xi32>,
          %add3A_77 = vector.broadcast %mul3A_38 : i32 to vector<16xi32>
          %add3A_78 = arith.addi %get3A_76, %add3A_77 : vector<16xi32>
          %swap3A = arith.index_cast %scan3A_60 : i32 to index
          %swap3A_79 = arith.index_cast %mul3A_73 : i32 to index
          %swap3A_80 = tpu.vector_load %arg8[%swap3A, %swap3A_79] {strides = array<i32>} : memref<50x128xi32, #tpu.memory_space<vmem>>, vector<16xi32>,
          tpu.vector_store %arg8[%swap3A, %swap3A_79], %add3A_78 {strides = array<i32>} : memref<50x128xi32, #tpu.memory_space<vmem>>, vector<16xi32>,
          %scan3A_81 = arith.constant 0 : i32
          scf.yield %scan3A_81 : i32
        }
        %scan3A_68 = arith.constant 8 : i32
        %scan3A_69 = arith.constant 0 : i32
        scf.yield %scan3A_69 : i32
      }
      %scan3A_45 = arith.constant 50 : i32
      %dma_start3A = arith.constant 0 : i32
      %dma_start3A_46 = arith.constant 0 : i32
      %dma_start3A_47 = tpu.memref_slice %arg8[%dma_start3A, %dma_start3A_46] : memref<50x128xi32, #tpu.memory_space<vmem>> -> memref<1x128xi32, #tpu.memory_space<vmem>>
      %dma_start3A_48 = tpu.memref_squeeze %dma_start3A_47 : memref<1x128xi32, #tpu.memory_space<vmem>> -> memref<128xi32, #tpu.memory_space<vmem>>
      %dma_start3A_49 = arith.constant 0 : i32
      %dma_start3A_50 = arith.constant 0 : i32
      %dma_start3A_51 = tpu.memref_slice %arg4[%dma_start3A_49, %dma_start3A_50] : memref<1300000x16xf32, #tpu.memory_space<hbm>> -> memref<1300000x16xf32, #tpu.memory_space<hbm>>
      tpu.enqueue_indirect_dma source(%dma_start3A_51 : memref<1300000x16xf32, #tpu.memory_space<hbm>>) target(%arg10 : memref<128x16xf32, #tpu.memory_space<vmem>>) offsets(%dma_start3A_48 : memref<128xi32, #tpu.memory_space<vmem>>) semaphore(%arg14 : memref<!tpu.dma_semaphore, #tpu.memory_space<semaphore_mem>>)
      %scan3A_52 = arith.constant 0 : i32
      %scan3A_53 = arith.constant 0 : i32
      %scan3A_54 = arith.constant 50 : i32
      %scan3A_55 = arith.addi %scan3A_53, %scan3A_54 : i32
      %scan3A_56 = arith.constant 1 : i32
      %scan3A_57 = scf.for %scan3A_60 = %scan3A_53 to %scan3A_55 step %scan3A_56 iter_args(%scan3A_61 = %scan3A_52) -> (i32)  : i32 {
        %jit3A = arith.constant 2 : i32
        %eq3A = arith.constant 0 : i32
        %eq3A_62 = arith.cmpi eq, %jit3A, %eq3A : i32
        %jit3A_63 = arith.constant 1 : i32
        %select_n3A = arith.select %eq3A_62, %jit3A_63, %jit3A : i32
        %rem3A = arith.remsi %scan3A_60, %select_n3A : i32
        %ne3A = arith.constant 0 : i32
        %ne3A_64 = arith.cmpi ne, %rem3A, %ne3A : i32
        %lt3A = arith.constant 0 : i32
        %lt3A_65 = arith.cmpi slt, %rem3A, %lt3A : i32
        %lt3A_66 = arith.constant 0 : i32
        %lt3A_67 = arith.cmpi slt, %select_n3A, %lt3A_66 : i32
        %ne3A_68 = arith.xori %lt3A_65, %lt3A_67 : i1
        %and3A = arith.andi %ne3A_68, %ne3A_64 : i1
        %add3A_69 = arith.addi %rem3A, %select_n3A : i32
        %select_n3A_70 = arith.select %and3A, %add3A_69, %rem3A : i32
        %eq3A_71 = arith.constant 0 : i32
        %eq3A_72 = arith.cmpi eq, %select_n3A_70, %eq3A_71 : i32
        %convert_element_type3A = arith.extui %eq3A_72 : i1 to i32
        %cond3A = arith.constant 0 : i32
        %cond3A_73 = arith.cmpi ne, %convert_element_type3A, %cond3A : i32
        scf.if %cond3A_73 {
          %add3A_96 = arith.constant 1 : i32
          %add3A_97 = arith.addi %scan3A_60, %add3A_96 : i32
          %lt3A_98 = arith.constant 50 : i32
          %lt3A_99 = arith.cmpi slt, %add3A_97, %lt3A_98 : i32
          %convert_element_type3A_100 = arith.extui %lt3A_99 : i1 to i32
          %cond3A_101 = arith.constant 0 : i32
          %cond3A_102 = arith.cmpi ne, %convert_element_type3A_100, %cond3A_101 : i32
          scf.if %cond3A_102 {
            %add3A_115 = arith.constant 1 : i32
            %add3A_116 = arith.addi %scan3A_60, %add3A_115 : i32
            %dma_start3A_117 = arith.constant 0 : i32
            %dma_start3A_118 = tpu.memref_slice %arg8[%add3A_116, %dma_start3A_117] : memref<50x128xi32, #tpu.memory_space<vmem>> -> memref<1x128xi32, #tpu.memory_space<vmem>>
            %dma_start3A_119 = tpu.memref_squeeze %dma_start3A_118 : memref<1x128xi32, #tpu.memory_space<vmem>> -> memref<128xi32, #tpu.memory_space<vmem>>
            %dma_start3A_120 = arith.constant 0 : i32
            %dma_start3A_121 = arith.constant 0 : i32
            %dma_start3A_122 = tpu.memref_slice %arg4[%dma_start3A_120, %dma_start3A_121] : memref<1300000x16xf32, #tpu.memory_space<hbm>> -> memref<1300000x16xf32, #tpu.memory_space<hbm>>
            tpu.enqueue_indirect_dma source(%dma_start3A_122 : memref<1300000x16xf32, #tpu.memory_space<hbm>>) target(%arg11 : memref<128x16xf32, #tpu.memory_space<vmem>>) offsets(%dma_start3A_119 : memref<128xi32, #tpu.memory_space<vmem>>) semaphore(%arg15 : memref<!tpu.dma_semaphore, #tpu.memory_space<semaphore_mem>>)
          } else {
          }
          %dma_wait3A = arith.constant 0 : i32
          %dma_wait3A_103 = tpu.memref_slice %arg8[%scan3A_60, %dma_wait3A] : memref<50x128xi32, #tpu.memory_space<vmem>> -> memref<1x128xi32, #tpu.memory_space<vmem>>
          %dma_wait3A_104 = tpu.memref_squeeze %dma_wait3A_103 : memref<1x128xi32, #tpu.memory_space<vmem>> -> memref<128xi32, #tpu.memory_space<vmem>>
          %dma_wait3A_105 = arith.constant 0 : i32
          %dma_wait3A_106 = arith.constant 0 : i32
          %dma_wait3A_107 = tpu.memref_slice %arg4[%dma_wait3A_105, %dma_wait3A_106] : memref<1300000x16xf32, #tpu.memory_space<hbm>> -> memref<1300000x16xf32, #tpu.memory_space<hbm>>
          tpu.wait_indirect_dma semaphore(%arg14 : memref<!tpu.dma_semaphore, #tpu.memory_space<semaphore_mem>>) src(%dma_wait3A_107 : memref<1300000x16xf32, #tpu.memory_space<hbm>>) dst(%arg10 : memref<128x16xf32, #tpu.memory_space<vmem>>)
          %scan3A_108 = arith.constant 0 : i32
          %scan3A_109 = arith.constant 0 : i32
          %scan3A_110 = arith.constant 16 : i32
          %scan3A_111 = arith.addi %scan3A_109, %scan3A_110 : i32
          %scan3A_112 = arith.constant 1 : i32
          %scan3A_113 = scf.for %scan3A_115 = %scan3A_109 to %scan3A_111 step %scan3A_112 iter_args(%scan3A_116 = %scan3A_108) -> (i32)  : i32 {
            %mul3A_117 = arith.constant 8 : i32
            %mul3A_118 = arith.muli %scan3A_115, %mul3A_117 : i32
            %add3A_119 = arith.constant 0 : i32
            %add3A_120 = arith.addi %mul3A_118, %add3A_119 : i32
            %mul3A_121 = arith.constant 8 : i32
            %mul3A_122 = arith.muli %scan3A_115, %mul3A_121 : i32
            %add3A_123 = arith.constant 0 : i32
            %add3A_124 = arith.addi %mul3A_122, %add3A_123 : i32
            %get3A_125 = arith.index_cast %add3A_124 : i32 to index
            %get3A_126 = arith.constant 0 : index
            %get3A_127 = tpu.vector_load %arg10[%get3A_125, %get3A_126] {strides = array<i32>} : memref<128x16xf32, #tpu.memory_space<vmem>>, vector<16xf32>,
            %mul3A_128 = arith.mulf %get3A_127, %get3A_36 : vector<16xf32>
            %swap3A = arith.index_cast %add3A_120 : i32 to index
            %swap3A_129 = arith.constant 0 : index
            %swap3A_130 = tpu.vector_load %arg12[%swap3A, %swap3A_129] {strides = array<i32>} : memref<128x16xf32, #tpu.memory_space<vmem>>, vector<16xf32>,
            tpu.vector_store %arg12[%swap3A, %swap3A_129], %mul3A_128 {add = true, strides = array<i32>} : memref<128x16xf32, #tpu.memory_space<vmem>>, vector<16xf32>,
            %mul3A_131 = arith.constant 8 : i32
            %mul3A_132 = arith.muli %scan3A_115, %mul3A_131 : i32
            %add3A_133 = arith.constant 1 : i32
            %add3A_134 = arith.addi %mul3A_132, %add3A_133 : i32
            %mul3A_135 = arith.constant 8 : i32
            %mul3A_136 = arith.muli %scan3A_115, %mul3A_135 : i32
            %add3A_137 = arith.constant 1 : i32
            %add3A_138 = arith.addi %mul3A_136, %add3A_137 : i32
            %get3A_139 = arith.index_cast %add3A_138 : i32 to index
            %get3A_140 = arith.constant 0 : index
            %get3A_141 = tpu.vector_load %arg10[%get3A_139, %get3A_140] {strides = array<i32>} : memref<128x16xf32, #tpu.memory_space<vmem>>, vector<16xf32>,
            %mul3A_142 = arith.mulf %get3A_141, %get3A_36 : vector<16xf32>
            %swap3A_143 = arith.index_cast %add3A_134 : i32 to index
            %swap3A_144 = arith.constant 0 : index
            %swap3A_145 = tpu.vector_load %arg12[%swap3A_143, %swap3A_144] {strides = array<i32>} : memref<128x16xf32, #tpu.memory_space<vmem>>, vector<16xf32>,
            tpu.vector_store %arg12[%swap3A_143, %swap3A_144], %mul3A_142 {add = true, strides = array<i32>} : memref<128x16xf32, #tpu.memory_space<vmem>>, vector<16xf32>,
            %mul3A_146 = arith.constant 8 : i32
            %mul3A_147 = arith.muli %scan3A_115, %mul3A_146 : i32
            %add3A_148 = arith.constant 2 : i32
            %add3A_149 = arith.addi %mul3A_147, %add3A_148 : i32
            %mul3A_150 = arith.constant 8 : i32
            %mul3A_151 = arith.muli %scan3A_115, %mul3A_150 : i32
            %add3A_152 = arith.constant 2 : i32
            %add3A_153 = arith.addi %mul3A_151, %add3A_152 : i32
            %get3A_154 = arith.index_cast %add3A_153 : i32 to index
            %get3A_155 = arith.constant 0 : index
            %get3A_156 = tpu.vector_load %arg10[%get3A_154, %get3A_155] {strides = array<i32>} : memref<128x16xf32, #tpu.memory_space<vmem>>, vector<16xf32>,
            %mul3A_157 = arith.mulf %get3A_156, %get3A_36 : vector<16xf32>
            %swap3A_158 = arith.index_cast %add3A_149 : i32 to index
            %swap3A_159 = arith.constant 0 : index
            %swap3A_160 = tpu.vector_load %arg12[%swap3A_158, %swap3A_159] {strides = array<i32>} : memref<128x16xf32, #tpu.memory_space<vmem>>, vector<16xf32>,
            tpu.vector_store %arg12[%swap3A_158, %swap3A_159], %mul3A_157 {add = true, strides = array<i32>} : memref<128x16xf32, #tpu.memory_space<vmem>>, vector<16xf32>,
            %mul3A_161 = arith.constant 8 : i32
            %mul3A_162 = arith.muli %scan3A_115, %mul3A_161 : i32
            %add3A_163 = arith.constant 3 : i32
            %add3A_164 = arith.addi %mul3A_162, %add3A_163 : i32
            %mul3A_165 = arith.constant 8 : i32
            %mul3A_166 = arith.muli %scan3A_115, %mul3A_165 : i32
            %add3A_167 = arith.constant 3 : i32
            %add3A_168 = arith.addi %mul3A_166, %add3A_167 : i32
            %get3A_169 = arith.index_cast %add3A_168 : i32 to index
            %get3A_170 = arith.constant 0 : index
            %get3A_171 = tpu.vector_load %arg10[%get3A_169, %get3A_170] {strides = array<i32>} : memref<128x16xf32, #tpu.memory_space<vmem>>, vector<16xf32>,
            %mul3A_172 = arith.mulf %get3A_171, %get3A_36 : vector<16xf32>
            %swap3A_173 = arith.index_cast %add3A_164 : i32 to index
            %swap3A_174 = arith.constant 0 : index
            %swap3A_175 = tpu.vector_load %arg12[%swap3A_173, %swap3A_174] {strides = array<i32>} : memref<128x16xf32, #tpu.memory_space<vmem>>, vector<16xf32>,
            tpu.vector_store %arg12[%swap3A_173, %swap3A_174], %mul3A_172 {add = true, strides = array<i32>} : memref<128x16xf32, #tpu.memory_space<vmem>>, vector<16xf32>,
            %mul3A_176 = arith.constant 8 : i32
            %mul3A_177 = arith.muli %scan3A_115, %mul3A_176 : i32
            %add3A_178 = arith.constant 4 : i32
            %add3A_179 = arith.addi %mul3A_177, %add3A_178 : i32
            %mul3A_180 = arith.constant 8 : i32
            %mul3A_181 = arith.muli %scan3A_115, %mul3A_180 : i32
            %add3A_182 = arith.constant 4 : i32
            %add3A_183 = arith.addi %mul3A_181, %add3A_182 : i32
            %get3A_184 = arith.index_cast %add3A_183 : i32 to index
            %get3A_185 = arith.constant 0 : index
            %get3A_186 = tpu.vector_load %arg10[%get3A_184, %get3A_185] {strides = array<i32>} : memref<128x16xf32, #tpu.memory_space<vmem>>, vector<16xf32>,
            %mul3A_187 = arith.mulf %get3A_186, %get3A_36 : vector<16xf32>
            %swap3A_188 = arith.index_cast %add3A_179 : i32 to index
            %swap3A_189 = arith.constant 0 : index
            %swap3A_190 = tpu.vector_load %arg12[%swap3A_188, %swap3A_189] {strides = array<i32>} : memref<128x16xf32, #tpu.memory_space<vmem>>, vector<16xf32>,
            tpu.vector_store %arg12[%swap3A_188, %swap3A_189], %mul3A_187 {add = true, strides = array<i32>} : memref<128x16xf32, #tpu.memory_space<vmem>>, vector<16xf32>,
            %mul3A_191 = arith.constant 8 : i32
            %mul3A_192 = arith.muli %scan3A_115, %mul3A_191 : i32
            %add3A_193 = arith.constant 5 : i32
            %add3A_194 = arith.addi %mul3A_192, %add3A_193 : i32
            %mul3A_195 = arith.constant 8 : i32
            %mul3A_196 = arith.muli %scan3A_115, %mul3A_195 : i32
            %add3A_197 = arith.constant 5 : i32
            %add3A_198 = arith.addi %mul3A_196, %add3A_197 : i32
            %get3A_199 = arith.index_cast %add3A_198 : i32 to index
            %get3A_200 = arith.constant 0 : index
            %get3A_201 = tpu.vector_load %arg10[%get3A_199, %get3A_200] {strides = array<i32>} : memref<128x16xf32, #tpu.memory_space<vmem>>, vector<16xf32>,
            %mul3A_202 = arith.mulf %get3A_201, %get3A_36 : vector<16xf32>
            %swap3A_203 = arith.index_cast %add3A_194 : i32 to index
            %swap3A_204 = arith.constant 0 : index
            %swap3A_205 = tpu.vector_load %arg12[%swap3A_203, %swap3A_204] {strides = array<i32>} : memref<128x16xf32, #tpu.memory_space<vmem>>, vector<16xf32>,
            tpu.vector_store %arg12[%swap3A_203, %swap3A_204], %mul3A_202 {add = true, strides = array<i32>} : memref<128x16xf32, #tpu.memory_space<vmem>>, vector<16xf32>,
            %mul3A_206 = arith.constant 8 : i32
            %mul3A_207 = arith.muli %scan3A_115, %mul3A_206 : i32
            %add3A_208 = arith.constant 6 : i32
            %add3A_209 = arith.addi %mul3A_207, %add3A_208 : i32
            %mul3A_210 = arith.constant 8 : i32
            %mul3A_211 = arith.muli %scan3A_115, %mul3A_210 : i32
            %add3A_212 = arith.constant 6 : i32
            %add3A_213 = arith.addi %mul3A_211, %add3A_212 : i32
            %get3A_214 = arith.index_cast %add3A_213 : i32 to index
            %get3A_215 = arith.constant 0 : index
            %get3A_216 = tpu.vector_load %arg10[%get3A_214, %get3A_215] {strides = array<i32>} : memref<128x16xf32, #tpu.memory_space<vmem>>, vector<16xf32>,
            %mul3A_217 = arith.mulf %get3A_216, %get3A_36 : vector<16xf32>
            %swap3A_218 = arith.index_cast %add3A_209 : i32 to index
            %swap3A_219 = arith.constant 0 : index
            %swap3A_220 = tpu.vector_load %arg12[%swap3A_218, %swap3A_219] {strides = array<i32>} : memref<128x16xf32, #tpu.memory_space<vmem>>, vector<16xf32>,
            tpu.vector_store %arg12[%swap3A_218, %swap3A_219], %mul3A_217 {add = true, strides = array<i32>} : memref<128x16xf32, #tpu.memory_space<vmem>>, vector<16xf32>,
            %mul3A_221 = arith.constant 8 : i32
            %mul3A_222 = arith.muli %scan3A_115, %mul3A_221 : i32
            %add3A_223 = arith.constant 7 : i32
            %add3A_224 = arith.addi %mul3A_222, %add3A_223 : i32
            %mul3A_225 = arith.constant 8 : i32
            %mul3A_226 = arith.muli %scan3A_115, %mul3A_225 : i32
            %add3A_227 = arith.constant 7 : i32
            %add3A_228 = arith.addi %mul3A_226, %add3A_227 : i32
            %get3A_229 = arith.index_cast %add3A_228 : i32 to index
            %get3A_230 = arith.constant 0 : index
            %get3A_231 = tpu.vector_load %arg10[%get3A_229, %get3A_230] {strides = array<i32>} : memref<128x16xf32, #tpu.memory_space<vmem>>, vector<16xf32>,
            %mul3A_232 = arith.mulf %get3A_231, %get3A_36 : vector<16xf32>
            %swap3A_233 = arith.index_cast %add3A_224 : i32 to index
            %swap3A_234 = arith.constant 0 : index
            %swap3A_235 = tpu.vector_load %arg12[%swap3A_233, %swap3A_234] {strides = array<i32>} : memref<128x16xf32, #tpu.memory_space<vmem>>, vector<16xf32>,
            tpu.vector_store %arg12[%swap3A_233, %swap3A_234], %mul3A_232 {add = true, strides = array<i32>} : memref<128x16xf32, #tpu.memory_space<vmem>>, vector<16xf32>,
            %scan3A_236 = arith.constant 0 : i32
            scf.yield %scan3A_236 : i32
          }
          %scan3A_114 = arith.constant 16 : i32
        } else {
        }
        %jit3A_74 = arith.constant 2 : i32
        %eq3A_75 = arith.constant 0 : i32
        %eq3A_76 = arith.cmpi eq, %jit3A_74, %eq3A_75 : i32
        %jit3A_77 = arith.constant 1 : i32
        %select_n3A_78 = arith.select %eq3A_76, %jit3A_77, %jit3A_74 : i32
        %rem3A_79 = arith.remsi %scan3A_60, %select_n3A_78 : i32
        %ne3A_80 = arith.constant 0 : i32
        %ne3A_81 = arith.cmpi ne, %rem3A_79, %ne3A_80 : i32
        %lt3A_82 = arith.constant 0 : i32
        %lt3A_83 = arith.cmpi slt, %rem3A_79, %lt3A_82 : i32
        %lt3A_84 = arith.constant 0 : i32
        %lt3A_85 = arith.cmpi slt, %select_n3A_78, %lt3A_84 : i32
        %ne3A_86 = arith.xori %lt3A_83, %lt3A_85 : i1
        %and3A_87 = arith.andi %ne3A_86, %ne3A_81 : i1
        %add3A_88 = arith.addi %rem3A_79, %select_n3A_78 : i32
        %select_n3A_89 = arith.select %and3A_87, %add3A_88, %rem3A_79 : i32
        %eq3A_90 = arith.constant 1 : i32
        %eq3A_91 = arith.cmpi eq, %select_n3A_89, %eq3A_90 : i32
        %convert_element_type3A_92 = arith.extui %eq3A_91 : i1 to i32
        %cond3A_93 = arith.constant 0 : i32
        %cond3A_94 = arith.cmpi ne, %convert_element_type3A_92, %cond3A_93 : i32
        scf.if %cond3A_94 {
          %add3A_96 = arith.constant 1 : i32
          %add3A_97 = arith.addi %scan3A_60, %add3A_96 : i32
          %lt3A_98 = arith.constant 50 : i32
          %lt3A_99 = arith.cmpi slt, %add3A_97, %lt3A_98 : i32
          %convert_element_type3A_100 = arith.extui %lt3A_99 : i1 to i32
          %cond3A_101 = arith.constant 0 : i32
          %cond3A_102 = arith.cmpi ne, %convert_element_type3A_100, %cond3A_101 : i32
          scf.if %cond3A_102 {
            %add3A_115 = arith.constant 1 : i32
            %add3A_116 = arith.addi %scan3A_60, %add3A_115 : i32
            %dma_start3A_117 = arith.constant 0 : i32
            %dma_start3A_118 = tpu.memref_slice %arg8[%add3A_116, %dma_start3A_117] : memref<50x128xi32, #tpu.memory_space<vmem>> -> memref<1x128xi32, #tpu.memory_space<vmem>>
            %dma_start3A_119 = tpu.memref_squeeze %dma_start3A_118 : memref<1x128xi32, #tpu.memory_space<vmem>> -> memref<128xi32, #tpu.memory_space<vmem>>
            %dma_start3A_120 = arith.constant 0 : i32
            %dma_start3A_121 = arith.constant 0 : i32
            %dma_start3A_122 = tpu.memref_slice %arg4[%dma_start3A_120, %dma_start3A_121] : memref<1300000x16xf32, #tpu.memory_space<hbm>> -> memref<1300000x16xf32, #tpu.memory_space<hbm>>
            tpu.enqueue_indirect_dma source(%dma_start3A_122 : memref<1300000x16xf32, #tpu.memory_space<hbm>>) target(%arg10 : memref<128x16xf32, #tpu.memory_space<vmem>>) offsets(%dma_start3A_119 : memref<128xi32, #tpu.memory_space<vmem>>) semaphore(%arg14 : memref<!tpu.dma_semaphore, #tpu.memory_space<semaphore_mem>>)
          } else {
          }
          %dma_wait3A = arith.constant 0 : i32
          %dma_wait3A_103 = tpu.memref_slice %arg8[%scan3A_60, %dma_wait3A] : memref<50x128xi32, #tpu.memory_space<vmem>> -> memref<1x128xi32, #tpu.memory_space<vmem>>
          %dma_wait3A_104 = tpu.memref_squeeze %dma_wait3A_103 : memref<1x128xi32, #tpu.memory_space<vmem>> -> memref<128xi32, #tpu.memory_space<vmem>>
          %dma_wait3A_105 = arith.constant 0 : i32
          %dma_wait3A_106 = arith.constant 0 : i32
          %dma_wait3A_107 = tpu.memref_slice %arg4[%dma_wait3A_105, %dma_wait3A_106] : memref<1300000x16xf32, #tpu.memory_space<hbm>> -> memref<1300000x16xf32, #tpu.memory_space<hbm>>
          tpu.wait_indirect_dma semaphore(%arg15 : memref<!tpu.dma_semaphore, #tpu.memory_space<semaphore_mem>>) src(%dma_wait3A_107 : memref<1300000x16xf32, #tpu.memory_space<hbm>>) dst(%arg11 : memref<128x16xf32, #tpu.memory_space<vmem>>)
          %scan3A_108 = arith.constant 0 : i32
          %scan3A_109 = arith.constant 0 : i32
          %scan3A_110 = arith.constant 16 : i32
          %scan3A_111 = arith.addi %scan3A_109, %scan3A_110 : i32
          %scan3A_112 = arith.constant 1 : i32
          %scan3A_113 = scf.for %scan3A_115 = %scan3A_109 to %scan3A_111 step %scan3A_112 iter_args(%scan3A_116 = %scan3A_108) -> (i32)  : i32 {
            %mul3A_117 = arith.constant 8 : i32
            %mul3A_118 = arith.muli %scan3A_115, %mul3A_117 : i32
            %add3A_119 = arith.constant 0 : i32
            %add3A_120 = arith.addi %mul3A_118, %add3A_119 : i32
            %mul3A_121 = arith.constant 8 : i32
            %mul3A_122 = arith.muli %scan3A_115, %mul3A_121 : i32
            %add3A_123 = arith.constant 0 : i32
            %add3A_124 = arith.addi %mul3A_122, %add3A_123 : i32
            %get3A_125 = arith.index_cast %add3A_124 : i32 to index
            %get3A_126 = arith.constant 0 : index
            %get3A_127 = tpu.vector_load %arg11[%get3A_125, %get3A_126] {strides = array<i32>} : memref<128x16xf32, #tpu.memory_space<vmem>>, vector<16xf32>,
            %mul3A_128 = arith.mulf %get3A_127, %get3A_36 : vector<16xf32>
            %swap3A = arith.index_cast %add3A_120 : i32 to index
            %swap3A_129 = arith.constant 0 : index
            %swap3A_130 = tpu.vector_load %arg12[%swap3A, %swap3A_129] {strides = array<i32>} : memref<128x16xf32, #tpu.memory_space<vmem>>, vector<16xf32>,
            tpu.vector_store %arg12[%swap3A, %swap3A_129], %mul3A_128 {add = true, strides = array<i32>} : memref<128x16xf32, #tpu.memory_space<vmem>>, vector<16xf32>,
            %mul3A_131 = arith.constant 8 : i32
            %mul3A_132 = arith.muli %scan3A_115, %mul3A_131 : i32
            %add3A_133 = arith.constant 1 : i32
            %add3A_134 = arith.addi %mul3A_132, %add3A_133 : i32
            %mul3A_135 = arith.constant 8 : i32
            %mul3A_136 = arith.muli %scan3A_115, %mul3A_135 : i32
            %add3A_137 = arith.constant 1 : i32
            %add3A_138 = arith.addi %mul3A_136, %add3A_137 : i32
            %get3A_139 = arith.index_cast %add3A_138 : i32 to index
            %get3A_140 = arith.constant 0 : index
            %get3A_141 = tpu.vector_load %arg11[%get3A_139, %get3A_140] {strides = array<i32>} : memref<128x16xf32, #tpu.memory_space<vmem>>, vector<16xf32>,
            %mul3A_142 = arith.mulf %get3A_141, %get3A_36 : vector<16xf32>
            %swap3A_143 = arith.index_cast %add3A_134 : i32 to index
            %swap3A_144 = arith.constant 0 : index
            %swap3A_145 = tpu.vector_load %arg12[%swap3A_143, %swap3A_144] {strides = array<i32>} : memref<128x16xf32, #tpu.memory_space<vmem>>, vector<16xf32>,
            tpu.vector_store %arg12[%swap3A_143, %swap3A_144], %mul3A_142 {add = true, strides = array<i32>} : memref<128x16xf32, #tpu.memory_space<vmem>>, vector<16xf32>,
            %mul3A_146 = arith.constant 8 : i32
            %mul3A_147 = arith.muli %scan3A_115, %mul3A_146 : i32
            %add3A_148 = arith.constant 2 : i32
            %add3A_149 = arith.addi %mul3A_147, %add3A_148 : i32
            %mul3A_150 = arith.constant 8 : i32
            %mul3A_151 = arith.muli %scan3A_115, %mul3A_150 : i32
            %add3A_152 = arith.constant 2 : i32
            %add3A_153 = arith.addi %mul3A_151, %add3A_152 : i32
            %get3A_154 = arith.index_cast %add3A_153 : i32 to index
            %get3A_155 = arith.constant 0 : index
            %get3A_156 = tpu.vector_load %arg11[%get3A_154, %get3A_155] {strides = array<i32>} : memref<128x16xf32, #tpu.memory_space<vmem>>, vector<16xf32>,
            %mul3A_157 = arith.mulf %get3A_156, %get3A_36 : vector<16xf32>
            %swap3A_158 = arith.index_cast %add3A_149 : i32 to index
            %swap3A_159 = arith.constant 0 : index
            %swap3A_160 = tpu.vector_load %arg12[%swap3A_158, %swap3A_159] {strides = array<i32>} : memref<128x16xf32, #tpu.memory_space<vmem>>, vector<16xf32>,
            tpu.vector_store %arg12[%swap3A_158, %swap3A_159], %mul3A_157 {add = true, strides = array<i32>} : memref<128x16xf32, #tpu.memory_space<vmem>>, vector<16xf32>,
            %mul3A_161 = arith.constant 8 : i32
            %mul3A_162 = arith.muli %scan3A_115, %mul3A_161 : i32
            %add3A_163 = arith.constant 3 : i32
            %add3A_164 = arith.addi %mul3A_162, %add3A_163 : i32
            %mul3A_165 = arith.constant 8 : i32
            %mul3A_166 = arith.muli %scan3A_115, %mul3A_165 : i32
            %add3A_167 = arith.constant 3 : i32
            %add3A_168 = arith.addi %mul3A_166, %add3A_167 : i32
            %get3A_169 = arith.index_cast %add3A_168 : i32 to index
            %get3A_170 = arith.constant 0 : index
            %get3A_171 = tpu.vector_load %arg11[%get3A_169, %get3A_170] {strides = array<i32>} : memref<128x16xf32, #tpu.memory_space<vmem>>, vector<16xf32>,
            %mul3A_172 = arith.mulf %get3A_171, %get3A_36 : vector<16xf32>
            %swap3A_173 = arith.index_cast %add3A_164 : i32 to index
            %swap3A_174 = arith.constant 0 : index
            %swap3A_175 = tpu.vector_load %arg12[%swap3A_173, %swap3A_174] {strides = array<i32>} : memref<128x16xf32, #tpu.memory_space<vmem>>, vector<16xf32>,
            tpu.vector_store %arg12[%swap3A_173, %swap3A_174], %mul3A_172 {add = true, strides = array<i32>} : memref<128x16xf32, #tpu.memory_space<vmem>>, vector<16xf32>,
            %mul3A_176 = arith.constant 8 : i32
            %mul3A_177 = arith.muli %scan3A_115, %mul3A_176 : i32
            %add3A_178 = arith.constant 4 : i32
            %add3A_179 = arith.addi %mul3A_177, %add3A_178 : i32
            %mul3A_180 = arith.constant 8 : i32
            %mul3A_181 = arith.muli %scan3A_115, %mul3A_180 : i32
            %add3A_182 = arith.constant 4 : i32
            %add3A_183 = arith.addi %mul3A_181, %add3A_182 : i32
            %get3A_184 = arith.index_cast %add3A_183 : i32 to index
            %get3A_185 = arith.constant 0 : index
            %get3A_186 = tpu.vector_load %arg11[%get3A_184, %get3A_185] {strides = array<i32>} : memref<128x16xf32, #tpu.memory_space<vmem>>, vector<16xf32>,
            %mul3A_187 = arith.mulf %get3A_186, %get3A_36 : vector<16xf32>
            %swap3A_188 = arith.index_cast %add3A_179 : i32 to index
            %swap3A_189 = arith.constant 0 : index
            %swap3A_190 = tpu.vector_load %arg12[%swap3A_188, %swap3A_189] {strides = array<i32>} : memref<128x16xf32, #tpu.memory_space<vmem>>, vector<16xf32>,
            tpu.vector_store %arg12[%swap3A_188, %swap3A_189], %mul3A_187 {add = true, strides = array<i32>} : memref<128x16xf32, #tpu.memory_space<vmem>>, vector<16xf32>,
            %mul3A_191 = arith.constant 8 : i32
            %mul3A_192 = arith.muli %scan3A_115, %mul3A_191 : i32
            %add3A_193 = arith.constant 5 : i32
            %add3A_194 = arith.addi %mul3A_192, %add3A_193 : i32
            %mul3A_195 = arith.constant 8 : i32
            %mul3A_196 = arith.muli %scan3A_115, %mul3A_195 : i32
            %add3A_197 = arith.constant 5 : i32
            %add3A_198 = arith.addi %mul3A_196, %add3A_197 : i32
            %get3A_199 = arith.index_cast %add3A_198 : i32 to index
            %get3A_200 = arith.constant 0 : index
            %get3A_201 = tpu.vector_load %arg11[%get3A_199, %get3A_200] {strides = array<i32>} : memref<128x16xf32, #tpu.memory_space<vmem>>, vector<16xf32>,
            %mul3A_202 = arith.mulf %get3A_201, %get3A_36 : vector<16xf32>
            %swap3A_203 = arith.index_cast %add3A_194 : i32 to index
            %swap3A_204 = arith.constant 0 : index
            %swap3A_205 = tpu.vector_load %arg12[%swap3A_203, %swap3A_204] {strides = array<i32>} : memref<128x16xf32, #tpu.memory_space<vmem>>, vector<16xf32>,
            tpu.vector_store %arg12[%swap3A_203, %swap3A_204], %mul3A_202 {add = true, strides = array<i32>} : memref<128x16xf32, #tpu.memory_space<vmem>>, vector<16xf32>,
            %mul3A_206 = arith.constant 8 : i32
            %mul3A_207 = arith.muli %scan3A_115, %mul3A_206 : i32
            %add3A_208 = arith.constant 6 : i32
            %add3A_209 = arith.addi %mul3A_207, %add3A_208 : i32
            %mul3A_210 = arith.constant 8 : i32
            %mul3A_211 = arith.muli %scan3A_115, %mul3A_210 : i32
            %add3A_212 = arith.constant 6 : i32
            %add3A_213 = arith.addi %mul3A_211, %add3A_212 : i32
            %get3A_214 = arith.index_cast %add3A_213 : i32 to index
            %get3A_215 = arith.constant 0 : index
            %get3A_216 = tpu.vector_load %arg11[%get3A_214, %get3A_215] {strides = array<i32>} : memref<128x16xf32, #tpu.memory_space<vmem>>, vector<16xf32>,
            %mul3A_217 = arith.mulf %get3A_216, %get3A_36 : vector<16xf32>
            %swap3A_218 = arith.index_cast %add3A_209 : i32 to index
            %swap3A_219 = arith.constant 0 : index
            %swap3A_220 = tpu.vector_load %arg12[%swap3A_218, %swap3A_219] {strides = array<i32>} : memref<128x16xf32, #tpu.memory_space<vmem>>, vector<16xf32>,
            tpu.vector_store %arg12[%swap3A_218, %swap3A_219], %mul3A_217 {add = true, strides = array<i32>} : memref<128x16xf32, #tpu.memory_space<vmem>>, vector<16xf32>,
            %mul3A_221 = arith.constant 8 : i32
            %mul3A_222 = arith.muli %scan3A_115, %mul3A_221 : i32
            %add3A_223 = arith.constant 7 : i32
            %add3A_224 = arith.addi %mul3A_222, %add3A_223 : i32
            %mul3A_225 = arith.constant 8 : i32
            %mul3A_226 = arith.muli %scan3A_115, %mul3A_225 : i32
            %add3A_227 = arith.constant 7 : i32
            %add3A_228 = arith.addi %mul3A_226, %add3A_227 : i32
            %get3A_229 = arith.index_cast %add3A_228 : i32 to index
            %get3A_230 = arith.constant 0 : index
            %get3A_231 = tpu.vector_load %arg11[%get3A_229, %get3A_230] {strides = array<i32>} : memref<128x16xf32, #tpu.memory_space<vmem>>, vector<16xf32>,
            %mul3A_232 = arith.mulf %get3A_231, %get3A_36 : vector<16xf32>
            %swap3A_233 = arith.index_cast %add3A_224 : i32 to index
            %swap3A_234 = arith.constant 0 : index
            %swap3A_235 = tpu.vector_load %arg12[%swap3A_233, %swap3A_234] {strides = array<i32>} : memref<128x16xf32, #tpu.memory_space<vmem>>, vector<16xf32>,
            tpu.vector_store %arg12[%swap3A_233, %swap3A_234], %mul3A_232 {add = true, strides = array<i32>} : memref<128x16xf32, #tpu.memory_space<vmem>>, vector<16xf32>,
            %scan3A_236 = arith.constant 0 : i32
            scf.yield %scan3A_236 : i32
          }
          %scan3A_114 = arith.constant 16 : i32
        } else {
        }
        %scan3A_95 = arith.constant 0 : i32
        scf.yield %scan3A_95 : i32
      }
      %scan3A_58 = arith.constant 50 : i32
      %scan3A_59 = arith.constant 0 : i32
      scf.yield %scan3A_59 : i32
    }
    %scan3A_15 = arith.constant 13 : i32
    %scan3A_16 = arith.constant 0 : i32
    %scan3A_17 = arith.constant 0 : i32
    %scan3A_18 = arith.constant 13 : i32
    %scan3A_19 = arith.addi %scan3A_17, %scan3A_18 : i32
    %scan3A_20 = arith.constant 1 : i32
    %scan3A_21 = scf.for %scan3A_30 = %scan3A_17 to %scan3A_19 step %scan3A_20 iter_args(%scan3A_31 = %scan3A_16) -> (i32)  : i32 {
      %mul3A_32 = arith.constant 4096 : i32
      %mul3A_33 = arith.muli %scan3A_30, %mul3A_32 : i32
      %add3A_34 = arith.addi %mul3A_33, %mul3A_2 : i32
      "tpu.region"() ({
        %run_scoped3A = tpu.sem_alloc : memref<!tpu.dma_semaphore, #tpu.memory_space<semaphore_mem>>
        %dma_start3A_59 = tpu.memref_slice %arg3[%add3A_34] : memref<53248xi32, #tpu.memory_space<hbm>> -> memref<128xi32, #tpu.memory_space<hbm>>
        %dma_start3A_60 = tpu.memref_slice %arg3[%add3A_34] : memref<53248xi32, #tpu.memory_space<hbm>> -> memref<128xi32, #tpu.memory_space<hbm>>
        tpu.enqueue_dma source(%dma_start3A_60 : memref<128xi32, #tpu.memory_space<hbm>>) target(%arg9 : memref<128xi32, #tpu.memory_space<vmem>>) target_semaphore(%run_scoped3A : memref<!tpu.dma_semaphore, #tpu.memory_space<semaphore_mem>>)
        %dma_wait3A_61 = tpu.memref_slice %arg3[%add3A_34] : memref<53248xi32, #tpu.memory_space<hbm>> -> memref<128xi32, #tpu.memory_space<hbm>>
        %dma_wait3A_62 = tpu.memref_slice %arg3[%add3A_34] : memref<53248xi32, #tpu.memory_space<hbm>> -> memref<128xi32, #tpu.memory_space<hbm>>
        tpu.wait_dma2 semaphore(%run_scoped3A : memref<!tpu.dma_semaphore, #tpu.memory_space<semaphore_mem>>) src(%dma_wait3A_62 : memref<128xi32, #tpu.memory_space<hbm>>) dst(%arg9 : memref<128xi32, #tpu.memory_space<vmem>>)
        tpu.yield
      }) : () -> ()
      %scan3A_35 = arith.constant 0 : i32
      %scan3A_36 = arith.constant 0 : i32
      %scan3A_37 = arith.constant 8 : i32
      %scan3A_38 = arith.addi %scan3A_36, %scan3A_37 : i32
      %scan3A_39 = arith.constant 1 : i32
      %scan3A_40 = scf.for %scan3A_59 = %scan3A_36 to %scan3A_38 step %scan3A_39 iter_args(%scan3A_60 = %scan3A_35) -> (i32)  : i32 {
        %mul3A_61 = arith.constant 16 : i32
        %mul3A_62 = arith.muli %scan3A_59, %mul3A_61 : i32
        %get3A_63 = arith.index_cast %mul3A_62 : i32 to index
        %get3A_64 = tpu.vector_load %arg9[%get3A_63] {strides = array<i32>} : memref<128xi32, #tpu.memory_space<vmem>>, vector<16xi32>,
        %mul3A_65 = arith.constant 100000 : i32
        %mul3A_66 = arith.muli %scan3A_30, %mul3A_65 : i32
        %add3A_67 = vector.broadcast %mul3A_66 : i32 to vector<16xi32>
        %add3A_68 = arith.addi %get3A_64, %add3A_67 : vector<16xi32>
        %swap3A = arith.index_cast %mul3A_62 : i32 to index
        %swap3A_69 = tpu.vector_load %arg9[%swap3A] {strides = array<i32>} : memref<128xi32, #tpu.memory_space<vmem>>, vector<16xi32>,
        tpu.vector_store %arg9[%swap3A], %add3A_68 {strides = array<i32>} : memref<128xi32, #tpu.memory_space<vmem>>, vector<16xi32>,
        %scan3A_70 = arith.constant 0 : i32
        scf.yield %scan3A_70 : i32
      }
      %scan3A_41 = arith.constant 8 : i32
      %dma_start3A = arith.constant 0 : i32
      %dma_start3A_42 = arith.constant 0 : i32
      %dma_start3A_43 = tpu.memref_slice %arg4[%dma_start3A, %dma_start3A_42] : memref<1300000x16xf32, #tpu.memory_space<hbm>> -> memref<1300000x16xf32, #tpu.memory_space<hbm>>
      tpu.enqueue_indirect_dma source(%dma_start3A_43 : memref<1300000x16xf32, #tpu.memory_space<hbm>>) target(%arg10 : memref<128x16xf32, #tpu.memory_space<vmem>>) offsets(%arg9 : memref<128xi32, #tpu.memory_space<vmem>>) semaphore(%arg14 : memref<!tpu.dma_semaphore, #tpu.memory_space<semaphore_mem>>)
      %dma_wait3A = arith.constant 0 : i32
      %dma_wait3A_44 = arith.constant 0 : i32
      %dma_wait3A_45 = tpu.memref_slice %arg4[%dma_wait3A, %dma_wait3A_44] : memref<1300000x16xf32, #tpu.memory_space<hbm>> -> memref<1300000x16xf32, #tpu.memory_space<hbm>>
      tpu.wait_indirect_dma semaphore(%arg14 : memref<!tpu.dma_semaphore, #tpu.memory_space<semaphore_mem>>) src(%dma_wait3A_45 : memref<1300000x16xf32, #tpu.memory_space<hbm>>) dst(%arg10 : memref<128x16xf32, #tpu.memory_space<vmem>>)
      %mul3A_46 = arith.constant 16 : i32
      %mul3A_47 = arith.muli %scan3A_30, %mul3A_46 : i32
      %add3A_48 = arith.constant 0 : i32
      %add3A_49 = arith.addi %add3A_48, %mul3A_47 : i32
      %get3A = arith.index_cast %add3A_49 : i32 to index
      %get3A_50 = tpu.vector_load %arg7[%get3A] {strides = array<i32>} : memref<624xf32, #tpu.memory_space<vmem>>, vector<16xf32>,
      %scan3A_51 = arith.constant 0 : i32
      %scan3A_52 = arith.constant 0 : i32
      %scan3A_53 = arith.constant 16 : i32
      %scan3A_54 = arith.addi %scan3A_52, %scan3A_53 : i32
      %scan3A_55 = arith.constant 1 : i32
      %scan3A_56 = scf.for %scan3A_59 = %scan3A_52 to %scan3A_54 step %scan3A_55 iter_args(%scan3A_60 = %scan3A_51) -> (i32)  : i32 {
        %mul3A_61 = arith.constant 8 : i32
        %mul3A_62 = arith.muli %scan3A_59, %mul3A_61 : i32
        %add3A_63 = arith.constant 0 : i32
        %add3A_64 = arith.addi %mul3A_62, %add3A_63 : i32
        %mul3A_65 = arith.constant 8 : i32
        %mul3A_66 = arith.muli %scan3A_59, %mul3A_65 : i32
        %add3A_67 = arith.constant 0 : i32
        %add3A_68 = arith.addi %mul3A_66, %add3A_67 : i32
        %get3A_69 = arith.index_cast %add3A_68 : i32 to index
        %get3A_70 = arith.constant 0 : index
        %get3A_71 = tpu.vector_load %arg10[%get3A_69, %get3A_70] {strides = array<i32>} : memref<128x16xf32, #tpu.memory_space<vmem>>, vector<16xf32>,
        %mul3A_72 = arith.mulf %get3A_71, %get3A_50 : vector<16xf32>
        %swap3A = arith.index_cast %add3A_64 : i32 to index
        %swap3A_73 = arith.constant 0 : index
        %swap3A_74 = tpu.vector_load %arg12[%swap3A, %swap3A_73] {strides = array<i32>} : memref<128x16xf32, #tpu.memory_space<vmem>>, vector<16xf32>,
        tpu.vector_store %arg12[%swap3A, %swap3A_73], %mul3A_72 {add = true, strides = array<i32>} : memref<128x16xf32, #tpu.memory_space<vmem>>, vector<16xf32>,
        %mul3A_75 = arith.constant 8 : i32
        %mul3A_76 = arith.muli %scan3A_59, %mul3A_75 : i32
        %add3A_77 = arith.constant 1 : i32
        %add3A_78 = arith.addi %mul3A_76, %add3A_77 : i32
        %mul3A_79 = arith.constant 8 : i32
        %mul3A_80 = arith.muli %scan3A_59, %mul3A_79 : i32
        %add3A_81 = arith.constant 1 : i32
        %add3A_82 = arith.addi %mul3A_80, %add3A_81 : i32
        %get3A_83 = arith.index_cast %add3A_82 : i32 to index
        %get3A_84 = arith.constant 0 : index
        %get3A_85 = tpu.vector_load %arg10[%get3A_83, %get3A_84] {strides = array<i32>} : memref<128x16xf32, #tpu.memory_space<vmem>>, vector<16xf32>,
        %mul3A_86 = arith.mulf %get3A_85, %get3A_50 : vector<16xf32>
        %swap3A_87 = arith.index_cast %add3A_78 : i32 to index
        %swap3A_88 = arith.constant 0 : index
        %swap3A_89 = tpu.vector_load %arg12[%swap3A_87, %swap3A_88] {strides = array<i32>} : memref<128x16xf32, #tpu.memory_space<vmem>>, vector<16xf32>,
        tpu.vector_store %arg12[%swap3A_87, %swap3A_88], %mul3A_86 {add = true, strides = array<i32>} : memref<128x16xf32, #tpu.memory_space<vmem>>, vector<16xf32>,
        %mul3A_90 = arith.constant 8 : i32
        %mul3A_91 = arith.muli %scan3A_59, %mul3A_90 : i32
        %add3A_92 = arith.constant 2 : i32
        %add3A_93 = arith.addi %mul3A_91, %add3A_92 : i32
        %mul3A_94 = arith.constant 8 : i32
        %mul3A_95 = arith.muli %scan3A_59, %mul3A_94 : i32
        %add3A_96 = arith.constant 2 : i32
        %add3A_97 = arith.addi %mul3A_95, %add3A_96 : i32
        %get3A_98 = arith.index_cast %add3A_97 : i32 to index
        %get3A_99 = arith.constant 0 : index
        %get3A_100 = tpu.vector_load %arg10[%get3A_98, %get3A_99] {strides = array<i32>} : memref<128x16xf32, #tpu.memory_space<vmem>>, vector<16xf32>,
        %mul3A_101 = arith.mulf %get3A_100, %get3A_50 : vector<16xf32>
        %swap3A_102 = arith.index_cast %add3A_93 : i32 to index
        %swap3A_103 = arith.constant 0 : index
        %swap3A_104 = tpu.vector_load %arg12[%swap3A_102, %swap3A_103] {strides = array<i32>} : memref<128x16xf32, #tpu.memory_space<vmem>>, vector<16xf32>,
        tpu.vector_store %arg12[%swap3A_102, %swap3A_103], %mul3A_101 {add = true, strides = array<i32>} : memref<128x16xf32, #tpu.memory_space<vmem>>, vector<16xf32>,
        %mul3A_105 = arith.constant 8 : i32
        %mul3A_106 = arith.muli %scan3A_59, %mul3A_105 : i32
        %add3A_107 = arith.constant 3 : i32
        %add3A_108 = arith.addi %mul3A_106, %add3A_107 : i32
        %mul3A_109 = arith.constant 8 : i32
        %mul3A_110 = arith.muli %scan3A_59, %mul3A_109 : i32
        %add3A_111 = arith.constant 3 : i32
        %add3A_112 = arith.addi %mul3A_110, %add3A_111 : i32
        %get3A_113 = arith.index_cast %add3A_112 : i32 to index
        %get3A_114 = arith.constant 0 : index
        %get3A_115 = tpu.vector_load %arg10[%get3A_113, %get3A_114] {strides = array<i32>} : memref<128x16xf32, #tpu.memory_space<vmem>>, vector<16xf32>,
        %mul3A_116 = arith.mulf %get3A_115, %get3A_50 : vector<16xf32>
        %swap3A_117 = arith.index_cast %add3A_108 : i32 to index
        %swap3A_118 = arith.constant 0 : index
        %swap3A_119 = tpu.vector_load %arg12[%swap3A_117, %swap3A_118] {strides = array<i32>} : memref<128x16xf32, #tpu.memory_space<vmem>>, vector<16xf32>,
        tpu.vector_store %arg12[%swap3A_117, %swap3A_118], %mul3A_116 {add = true, strides = array<i32>} : memref<128x16xf32, #tpu.memory_space<vmem>>, vector<16xf32>,
        %mul3A_120 = arith.constant 8 : i32
        %mul3A_121 = arith.muli %scan3A_59, %mul3A_120 : i32
        %add3A_122 = arith.constant 4 : i32
        %add3A_123 = arith.addi %mul3A_121, %add3A_122 : i32
        %mul3A_124 = arith.constant 8 : i32
        %mul3A_125 = arith.muli %scan3A_59, %mul3A_124 : i32
        %add3A_126 = arith.constant 4 : i32
        %add3A_127 = arith.addi %mul3A_125, %add3A_126 : i32
        %get3A_128 = arith.index_cast %add3A_127 : i32 to index
        %get3A_129 = arith.constant 0 : index
        %get3A_130 = tpu.vector_load %arg10[%get3A_128, %get3A_129] {strides = array<i32>} : memref<128x16xf32, #tpu.memory_space<vmem>>, vector<16xf32>,
        %mul3A_131 = arith.mulf %get3A_130, %get3A_50 : vector<16xf32>
        %swap3A_132 = arith.index_cast %add3A_123 : i32 to index
        %swap3A_133 = arith.constant 0 : index
        %swap3A_134 = tpu.vector_load %arg12[%swap3A_132, %swap3A_133] {strides = array<i32>} : memref<128x16xf32, #tpu.memory_space<vmem>>, vector<16xf32>,
        tpu.vector_store %arg12[%swap3A_132, %swap3A_133], %mul3A_131 {add = true, strides = array<i32>} : memref<128x16xf32, #tpu.memory_space<vmem>>, vector<16xf32>,
        %mul3A_135 = arith.constant 8 : i32
        %mul3A_136 = arith.muli %scan3A_59, %mul3A_135 : i32
        %add3A_137 = arith.constant 5 : i32
        %add3A_138 = arith.addi %mul3A_136, %add3A_137 : i32
        %mul3A_139 = arith.constant 8 : i32
        %mul3A_140 = arith.muli %scan3A_59, %mul3A_139 : i32
        %add3A_141 = arith.constant 5 : i32
        %add3A_142 = arith.addi %mul3A_140, %add3A_141 : i32
        %get3A_143 = arith.index_cast %add3A_142 : i32 to index
        %get3A_144 = arith.constant 0 : index
        %get3A_145 = tpu.vector_load %arg10[%get3A_143, %get3A_144] {strides = array<i32>} : memref<128x16xf32, #tpu.memory_space<vmem>>, vector<16xf32>,
        %mul3A_146 = arith.mulf %get3A_145, %get3A_50 : vector<16xf32>
        %swap3A_147 = arith.index_cast %add3A_138 : i32 to index
        %swap3A_148 = arith.constant 0 : index
        %swap3A_149 = tpu.vector_load %arg12[%swap3A_147, %swap3A_148] {strides = array<i32>} : memref<128x16xf32, #tpu.memory_space<vmem>>, vector<16xf32>,
        tpu.vector_store %arg12[%swap3A_147, %swap3A_148], %mul3A_146 {add = true, strides = array<i32>} : memref<128x16xf32, #tpu.memory_space<vmem>>, vector<16xf32>,
        %mul3A_150 = arith.constant 8 : i32
        %mul3A_151 = arith.muli %scan3A_59, %mul3A_150 : i32
        %add3A_152 = arith.constant 6 : i32
        %add3A_153 = arith.addi %mul3A_151, %add3A_152 : i32
        %mul3A_154 = arith.constant 8 : i32
        %mul3A_155 = arith.muli %scan3A_59, %mul3A_154 : i32
        %add3A_156 = arith.constant 6 : i32
        %add3A_157 = arith.addi %mul3A_155, %add3A_156 : i32
        %get3A_158 = arith.index_cast %add3A_157 : i32 to index
        %get3A_159 = arith.constant 0 : index
        %get3A_160 = tpu.vector_load %arg10[%get3A_158, %get3A_159] {strides = array<i32>} : memref<128x16xf32, #tpu.memory_space<vmem>>, vector<16xf32>,
        %mul3A_161 = arith.mulf %get3A_160, %get3A_50 : vector<16xf32>
        %swap3A_162 = arith.index_cast %add3A_153 : i32 to index
        %swap3A_163 = arith.constant 0 : index
        %swap3A_164 = tpu.vector_load %arg12[%swap3A_162, %swap3A_163] {strides = array<i32>} : memref<128x16xf32, #tpu.memory_space<vmem>>, vector<16xf32>,
        tpu.vector_store %arg12[%swap3A_162, %swap3A_163], %mul3A_161 {add = true, strides = array<i32>} : memref<128x16xf32, #tpu.memory_space<vmem>>, vector<16xf32>,
        %mul3A_165 = arith.constant 8 : i32
        %mul3A_166 = arith.muli %scan3A_59, %mul3A_165 : i32
        %add3A_167 = arith.constant 7 : i32
        %add3A_168 = arith.addi %mul3A_166, %add3A_167 : i32
        %mul3A_169 = arith.constant 8 : i32
        %mul3A_170 = arith.muli %scan3A_59, %mul3A_169 : i32
        %add3A_171 = arith.constant 7 : i32
        %add3A_172 = arith.addi %mul3A_170, %add3A_171 : i32
        %get3A_173 = arith.index_cast %add3A_172 : i32 to index
        %get3A_174 = arith.constant 0 : index
        %get3A_175 = tpu.vector_load %arg10[%get3A_173, %get3A_174] {strides = array<i32>} : memref<128x16xf32, #tpu.memory_space<vmem>>, vector<16xf32>,
        %mul3A_176 = arith.mulf %get3A_175, %get3A_50 : vector<16xf32>
        %swap3A_177 = arith.index_cast %add3A_168 : i32 to index
        %swap3A_178 = arith.constant 0 : index
        %swap3A_179 = tpu.vector_load %arg12[%swap3A_177, %swap3A_178] {strides = array<i32>} : memref<128x16xf32, #tpu.memory_space<vmem>>, vector<16xf32>,
        tpu.vector_store %arg12[%swap3A_177, %swap3A_178], %mul3A_176 {add = true, strides = array<i32>} : memref<128x16xf32, #tpu.memory_space<vmem>>, vector<16xf32>,
        %scan3A_180 = arith.constant 0 : i32
        scf.yield %scan3A_180 : i32
      }
      %scan3A_57 = arith.constant 16 : i32
      %scan3A_58 = arith.constant 0 : i32
      scf.yield %scan3A_58 : i32
    }
    %scan3A_22 = arith.constant 13 : i32
    %iota3A = tpu.iota {dimensions = array<i32: 0>} : vector<16xi32>
    %scan3A_23 = arith.constant 0 : i32
    %scan3A_24 = arith.constant 0 : i32
    %scan3A_25 = arith.constant 8 : i32
    %scan3A_26 = arith.addi %scan3A_24, %scan3A_25 : i32
    %scan3A_27 = arith.constant 1 : i32
    %scan3A_28 = scf.for %scan3A_30 = %scan3A_24 to %scan3A_26 step %scan3A_27 iter_args(%scan3A_31 = %scan3A_23) -> (i32)  : i32 {
      %mul3A_32 = arith.constant 16 : i32
      %mul3A_33 = arith.muli %scan3A_30, %mul3A_32 : i32
      %add3A_34 = vector.broadcast %mul3A_33 : i32 to vector<16xi32>
      %add3A_35 = arith.addi %iota3A, %add3A_34 : vector<16xi32>
      %broadcast_in_dim3A = arith.constant 0.000000e+00 : f32
      %broadcast_in_dim3A_36 = vector.broadcast %broadcast_in_dim3A : f32 to vector<16xf32>
      %broadcast_in_dim3A_37 = arith.constant 0 : i32
      %broadcast_in_dim3A_38 = vector.broadcast %broadcast_in_dim3A_37 : i32 to vector<16xi32>
      %gather3A = tpu.vector_load_idx %arg12[%add3A_35, %broadcast_in_dim3A_38] : memref<128x16xf32, #tpu.memory_space<vmem>>[vector<16xi32>, vector<16xi32>], vector<16xf32>,
      %add3A_39 = arith.addf %broadcast_in_dim3A_36, %gather3A : vector<16xf32>
      %broadcast_in_dim3A_40 = arith.constant 1 : i32
      %broadcast_in_dim3A_41 = vector.broadcast %broadcast_in_dim3A_40 : i32 to vector<16xi32>
      %gather3A_42 = tpu.vector_load_idx %arg12[%add3A_35, %broadcast_in_dim3A_41] : memref<128x16xf32, #tpu.memory_space<vmem>>[vector<16xi32>, vector<16xi32>], vector<16xf32>,
      %add3A_43 = arith.addf %add3A_39, %gather3A_42 : vector<16xf32>
      %broadcast_in_dim3A_44 = arith.constant 2 : i32
      %broadcast_in_dim3A_45 = vector.broadcast %broadcast_in_dim3A_44 : i32 to vector<16xi32>
      %gather3A_46 = tpu.vector_load_idx %arg12[%add3A_35, %broadcast_in_dim3A_45] : memref<128x16xf32, #tpu.memory_space<vmem>>[vector<16xi32>, vector<16xi32>], vector<16xf32>,
      %add3A_47 = arith.addf %add3A_43, %gather3A_46 : vector<16xf32>
      %broadcast_in_dim3A_48 = arith.constant 3 : i32
      %broadcast_in_dim3A_49 = vector.broadcast %broadcast_in_dim3A_48 : i32 to vector<16xi32>
      %gather3A_50 = tpu.vector_load_idx %arg12[%add3A_35, %broadcast_in_dim3A_49] : memref<128x16xf32, #tpu.memory_space<vmem>>[vector<16xi32>, vector<16xi32>], vector<16xf32>,
      %add3A_51 = arith.addf %add3A_47, %gather3A_50 : vector<16xf32>
      %broadcast_in_dim3A_52 = arith.constant 4 : i32
      %broadcast_in_dim3A_53 = vector.broadcast %broadcast_in_dim3A_52 : i32 to vector<16xi32>
      %gather3A_54 = tpu.vector_load_idx %arg12[%add3A_35, %broadcast_in_dim3A_53] : memref<128x16xf32, #tpu.memory_space<vmem>>[vector<16xi32>, vector<16xi32>], vector<16xf32>,
      %add3A_55 = arith.addf %add3A_51, %gather3A_54 : vector<16xf32>
      %broadcast_in_dim3A_56 = arith.constant 5 : i32
      %broadcast_in_dim3A_57 = vector.broadcast %broadcast_in_dim3A_56 : i32 to vector<16xi32>
      %gather3A_58 = tpu.vector_load_idx %arg12[%add3A_35, %broadcast_in_dim3A_57] : memref<128x16xf32, #tpu.memory_space<vmem>>[vector<16xi32>, vector<16xi32>], vector<16xf32>,
      %add3A_59 = arith.addf %add3A_55, %gather3A_58 : vector<16xf32>
      %broadcast_in_dim3A_60 = arith.constant 6 : i32
      %broadcast_in_dim3A_61 = vector.broadcast %broadcast_in_dim3A_60 : i32 to vector<16xi32>
      %gather3A_62 = tpu.vector_load_idx %arg12[%add3A_35, %broadcast_in_dim3A_61] : memref<128x16xf32, #tpu.memory_space<vmem>>[vector<16xi32>, vector<16xi32>], vector<16xf32>,
      %add3A_63 = arith.addf %add3A_59, %gather3A_62 : vector<16xf32>
      %broadcast_in_dim3A_64 = arith.constant 7 : i32
      %broadcast_in_dim3A_65 = vector.broadcast %broadcast_in_dim3A_64 : i32 to vector<16xi32>
      %gather3A_66 = tpu.vector_load_idx %arg12[%add3A_35, %broadcast_in_dim3A_65] : memref<128x16xf32, #tpu.memory_space<vmem>>[vector<16xi32>, vector<16xi32>], vector<16xf32>,
      %add3A_67 = arith.addf %add3A_63, %gather3A_66 : vector<16xf32>
      %broadcast_in_dim3A_68 = arith.constant 8 : i32
      %broadcast_in_dim3A_69 = vector.broadcast %broadcast_in_dim3A_68 : i32 to vector<16xi32>
      %gather3A_70 = tpu.vector_load_idx %arg12[%add3A_35, %broadcast_in_dim3A_69] : memref<128x16xf32, #tpu.memory_space<vmem>>[vector<16xi32>, vector<16xi32>], vector<16xf32>,
      %add3A_71 = arith.addf %add3A_67, %gather3A_70 : vector<16xf32>
      %broadcast_in_dim3A_72 = arith.constant 9 : i32
      %broadcast_in_dim3A_73 = vector.broadcast %broadcast_in_dim3A_72 : i32 to vector<16xi32>
      %gather3A_74 = tpu.vector_load_idx %arg12[%add3A_35, %broadcast_in_dim3A_73] : memref<128x16xf32, #tpu.memory_space<vmem>>[vector<16xi32>, vector<16xi32>], vector<16xf32>,
      %add3A_75 = arith.addf %add3A_71, %gather3A_74 : vector<16xf32>
      %broadcast_in_dim3A_76 = arith.constant 10 : i32
      %broadcast_in_dim3A_77 = vector.broadcast %broadcast_in_dim3A_76 : i32 to vector<16xi32>
      %gather3A_78 = tpu.vector_load_idx %arg12[%add3A_35, %broadcast_in_dim3A_77] : memref<128x16xf32, #tpu.memory_space<vmem>>[vector<16xi32>, vector<16xi32>], vector<16xf32>,
      %add3A_79 = arith.addf %add3A_75, %gather3A_78 : vector<16xf32>
      %broadcast_in_dim3A_80 = arith.constant 11 : i32
      %broadcast_in_dim3A_81 = vector.broadcast %broadcast_in_dim3A_80 : i32 to vector<16xi32>
      %gather3A_82 = tpu.vector_load_idx %arg12[%add3A_35, %broadcast_in_dim3A_81] : memref<128x16xf32, #tpu.memory_space<vmem>>[vector<16xi32>, vector<16xi32>], vector<16xf32>,
      %add3A_83 = arith.addf %add3A_79, %gather3A_82 : vector<16xf32>
      %broadcast_in_dim3A_84 = arith.constant 12 : i32
      %broadcast_in_dim3A_85 = vector.broadcast %broadcast_in_dim3A_84 : i32 to vector<16xi32>
      %gather3A_86 = tpu.vector_load_idx %arg12[%add3A_35, %broadcast_in_dim3A_85] : memref<128x16xf32, #tpu.memory_space<vmem>>[vector<16xi32>, vector<16xi32>], vector<16xf32>,
      %add3A_87 = arith.addf %add3A_83, %gather3A_86 : vector<16xf32>
      %broadcast_in_dim3A_88 = arith.constant 13 : i32
      %broadcast_in_dim3A_89 = vector.broadcast %broadcast_in_dim3A_88 : i32 to vector<16xi32>
      %gather3A_90 = tpu.vector_load_idx %arg12[%add3A_35, %broadcast_in_dim3A_89] : memref<128x16xf32, #tpu.memory_space<vmem>>[vector<16xi32>, vector<16xi32>], vector<16xf32>,
      %add3A_91 = arith.addf %add3A_87, %gather3A_90 : vector<16xf32>
      %broadcast_in_dim3A_92 = arith.constant 14 : i32
      %broadcast_in_dim3A_93 = vector.broadcast %broadcast_in_dim3A_92 : i32 to vector<16xi32>
      %gather3A_94 = tpu.vector_load_idx %arg12[%add3A_35, %broadcast_in_dim3A_93] : memref<128x16xf32, #tpu.memory_space<vmem>>[vector<16xi32>, vector<16xi32>], vector<16xf32>,
      %add3A_95 = arith.addf %add3A_91, %gather3A_94 : vector<16xf32>
      %broadcast_in_dim3A_96 = arith.constant 15 : i32
      %broadcast_in_dim3A_97 = vector.broadcast %broadcast_in_dim3A_96 : i32 to vector<16xi32>
      %gather3A_98 = tpu.vector_load_idx %arg12[%add3A_35, %broadcast_in_dim3A_97] : memref<128x16xf32, #tpu.memory_space<vmem>>[vector<16xi32>, vector<16xi32>], vector<16xf32>,
      %add3A_99 = arith.addf %add3A_95, %gather3A_98 : vector<16xf32>
      %mul3A_100 = arith.constant 16 : i32
      %mul3A_101 = arith.muli %scan3A_30, %mul3A_100 : i32
      %swap3A = arith.index_cast %mul3A_101 : i32 to index
      %swap3A_102 = tpu.vector_load %arg13[%swap3A] {strides = array<i32>} : memref<128xf32, #tpu.memory_space<vmem>>, vector<16xf32>,
      tpu.vector_store %arg13[%swap3A], %add3A_99 {strides = array<i32>} : memref<128xf32, #tpu.memory_space<vmem>>, vector<16xf32>,
      %scan3A_103 = arith.constant 0 : i32
      scf.yield %scan3A_103 : i32
    }
    %scan3A_29 = arith.constant 8 : i32
    "tpu.region"() ({
      %run_scoped3A = tpu.sem_alloc : memref<!tpu.dma_semaphore, #tpu.memory_space<semaphore_mem>>
      %dma_start3A = tpu.memref_slice %arg6[%mul3A_2] : memref<4096xf32, #tpu.memory_space<hbm>> -> memref<128xf32, #tpu.memory_space<hbm>>
      %dma_start3A_30 = tpu.memref_slice %arg6[%mul3A_2] : memref<4096xf32, #tpu.memory_space<hbm>> -> memref<128xf32, #tpu.memory_space<hbm>>
      tpu.enqueue_dma source(%arg13 : memref<128xf32, #tpu.memory_space<vmem>>) target(%dma_start3A_30 : memref<128xf32, #tpu.memory_space<hbm>>) target_semaphore(%run_scoped3A : memref<!tpu.dma_semaphore, #tpu.memory_space<semaphore_mem>>)
      %dma_wait3A = tpu.memref_slice %arg6[%mul3A_2] : memref<4096xf32, #tpu.memory_space<hbm>> -> memref<128xf32, #tpu.memory_space<hbm>>
      %dma_wait3A_31 = tpu.memref_slice %arg6[%mul3A_2] : memref<4096xf32, #tpu.memory_space<hbm>> -> memref<128xf32, #tpu.memory_space<hbm>>
      tpu.wait_dma2 semaphore(%run_scoped3A : memref<!tpu.dma_semaphore, #tpu.memory_space<semaphore_mem>>) src(%arg13 : memref<128xf32, #tpu.memory_space<vmem>>) dst(%dma_wait3A_31 : memref<128xf32, #tpu.memory_space<hbm>>)
      tpu.yield
    }) : () -> ()
    return
  }
}

module attributes {stable_mosaic.version = 14 : i64} {
  func.func @_head_body(%arg0: memref<1x4096xf32, #tpu.memory_space<vmem>>, %arg1: memref<1x4096xf32, #tpu.memory_space<vmem>>, %arg2: memref<4096x16xf32, #tpu.memory_space<vmem>>, %arg3: memref<16x1xf32, #tpu.memory_space<vmem>>, %arg4: memref<1x1xf32, #tpu.memory_space<vmem>>, %arg5: memref<4096x1xf32, #tpu.memory_space<vmem>>) attributes {dimension_semantics = [], scalar_prefetch = 0 : i64, scratch_operands = 0 : i64, tpu.core_type = #tpu.core_type<tc>} {
    %get3A = arith.constant 0 : index
    %get3A_0 = arith.constant 0 : index
    %get3A_1 = vector.load %arg2[%get3A, %get3A_0] : memref<4096x16xf32, #tpu.memory_space<vmem>>, vector<4096x16xf32>
    %get3A_2 = arith.constant 0 : index
    %get3A_3 = arith.constant 0 : index
    %get3A_4 = vector.load %arg3[%get3A_2, %get3A_3] : memref<16x1xf32, #tpu.memory_space<vmem>>, vector<16x1xf32>
    %dot_general3A = arith.constant dense<0.000000e+00> : vector<4096x1xf32>
    %dot_general3A_5 = tpu.matmul %get3A_1, %get3A_4, %dot_general3A {dimension_numbers = #tpu.dot_dimension_numbers<[1], [0], [0], [1], [0, 0, 1, 1], [], []>, transpose_lhs_hint = false} : vector<4096x16xf32>, vector<16x1xf32>, vector<4096x1xf32> -> vector<4096x1xf32>
    %get3A_6 = arith.constant 0 : index
    %get3A_7 = arith.constant 0 : index
    %get3A_8 = vector.load %arg0[%get3A_6, %get3A_7] : memref<1x4096xf32, #tpu.memory_space<vmem>>, vector<1x4096xf32>
    %get3A_9 = vector.shape_cast %get3A_8 : vector<1x4096xf32> to vector<4096xf32>
    %get3A_10 = arith.constant 0 : index
    %get3A_11 = arith.constant 0 : index
    %get3A_12 = vector.load %arg1[%get3A_10, %get3A_11] : memref<1x4096xf32, #tpu.memory_space<vmem>>, vector<1x4096xf32>
    %get3A_13 = vector.shape_cast %get3A_12 : vector<1x4096xf32> to vector<4096xf32>
    %add3A = arith.addf %get3A_9, %get3A_13 : vector<4096xf32>
    %broadcast_in_dim3A = vector.shape_cast %add3A : vector<4096xf32> to vector<4096x1xf32>
    %add3A_14 = arith.addf %broadcast_in_dim3A, %dot_general3A_5 : vector<4096x1xf32>
    %get3A_15 = arith.constant 0 : index
    %get3A_16 = arith.constant 0 : index
    %get3A_17 = vector.load %arg4[%get3A_15, %get3A_16] : memref<1x1xf32, #tpu.memory_space<vmem>>, vector<1x1xf32>
    %get3A_18 = vector.extract %get3A_17[0, 0] : f32 from vector<1x1xf32>
    %add3A_19 = vector.broadcast %get3A_18 : f32 to vector<4096x1xf32>
    %add3A_20 = arith.addf %add3A_14, %add3A_19 : vector<4096x1xf32>
    %logistic3A = arith.negf %add3A_20 : vector<4096x1xf32>
    %logistic3A_21 = math.exp %logistic3A : vector<4096x1xf32>
    %logistic3A_22 = arith.constant 1.000000e+00 : f32
    %logistic3A_23 = vector.broadcast %logistic3A_22 : f32 to vector<4096x1xf32>
    %logistic3A_24 = arith.addf %logistic3A_23, %logistic3A_21 : vector<4096x1xf32>
    %logistic3A_25 = arith.divf %logistic3A_23, %logistic3A_24 : vector<4096x1xf32>
    %swap3A = arith.constant 0 : index
    %swap3A_26 = arith.constant 0 : index
    %swap3A_27 = vector.load %arg5[%swap3A, %swap3A_26] : memref<4096x1xf32, #tpu.memory_space<vmem>>, vector<4096x1xf32>
    tpu.vector_store %arg5[%swap3A, %swap3A_26], %logistic3A_25 {strides = array<i32>} : memref<4096x1xf32, #tpu.memory_space<vmem>>, vector<4096x1xf32>,
    return
  }
}

</mosaic_0001>

<sc_bundles>
// kernel: kernel.5.cloned.1.call-start
scs
__scs_entry_jumppad:
0x0: {  	(pc) =	sbr.rel $0x88, $3  }
0x1: {  	(tag) =	ssettag $0x0;
	lr =	simm.s32 $0x1  }
0x2: {  	[smem:$0x3F99] =	sst lr;
	_ =	strace $0xD0000000  }
0x3: {  	_ = 	snop  }
0x4: {  	_ = 	snop  }
0x5: {  	_ = 	snop  }
0x6: {  	_ = 	snop  }
0x7: {  	_ = 	snop  }
__scs_overlays_trampoline_lowered:
0x8: {  	[smem:$0x3FA8] =	sst s0  }
0x9: {  	[smem:$0x3FA9] =	sst s1  }
0xa: {  	[smem:$0x3FAA] =	sst s2  }
0xb: {  	[smem:$0x3FAB] =	sst s3  }
0xc: {  	[smem:$0x3FAC] =	sst s4  }
0xd: {  	[smem:$0x3FAD] =	sst s5  }
0xe: {  	[smem:$0x3FAE] =	sst s6  }
0xf: {  	[smem:$0x3FAF] =	sst s7  }
0x10: {  	[smem:$0x3FB0] =	sst s8  }
0x11: {  	[smem:$0x3FB1] =	sst s9;
	s0 =	simm.s32 @!p0 $0x0  }
0x12: {  	s1 =	sld [smem:$0x3F97];
	s0 =	simm.s32 @p0 $0x1  }
0x13: {  	[smem:$0x3FB2] =	sst s0;
	s0 =	simm.s32 @!p1 $0x0  }
0x14: {  	s2 =	sld [smem:$0x3F96];
	s0 =	simm.s32 @p1 $0x1  }
0x15: {  	[smem:$0x3FB3] =	sst s0;
	s0 =	simm.s32 @!p2 $0x0  }
0x16: {  	s3 =	sld [smem:$0x3FDB];
	s0 =	simm.s32 @p2 $0x1  }
0x17: {  	s4 =	simm.s32 $0x1BF5;
	[smem:$0x3FB5] =	sst s0  }
0x18: {  	s0 =	sld [smem:$0x3F98];
	_ =	swait.ge [sflag:s4], $0x0  }
0x19: {  	s7 =	sld [smem:$0x3F99]  }
0x1a: {  	s8 =	sadd.s32 $0xFFFFE003, lr  }
0x1b: {  	s9 =	sadd.s32 $0xFFFFFEF7, lr;
	s5 =	simm.s32 $0xFFFFFFFF;
	p2 =	slt.u32 s8, $0xFFFFF086  }
0x1c: {  	p1 =	slt.u32 s9, $0xF7A;
	s5 =	simm.s32 @!p2 $0x0  }
0x1d: {  	s5 =	simm.s32 @p1 $0x1;
	p0 =	seq.s32 s7, s2  }
0x1e: {  	s7 =	smul.u32 @!p0 $0xF7A, s2;
	p2 =	seq.s32 @!p0 s5, $0x0  }
0x1f: {  	s9 =	smul.u32 $0xF7A, s1;
	s8 =	simm.s32 @!p0 $0x1BF5;
	p2 =	por !p2, p0  }
0x20: {  	[sflag:s8] =	ssyncset.s32 @!p0 $0xFFFFF086;
	s6 =	sadd.s32 @!p0 s3, s7;
	s7 =	simm.s32 @!p0 $0x108  }
0x21: {  	s3 =	sadd.s32 s3, s9;
	s6 =	sadd.s32 @!p0 $0x88, s6;
	s7 =	simm.s32 @p2 $0x1082  }
0x22: {  	[simem:s7], [sflag:s8] =	dma.local @!p0 [hbm:s6], $0xF7A  }
0x23: {  	s9 =	sor.u32 $0xD0000000, s2;
	s6 =	simm.s32 $0x108;
	_ =	swait.ge @!p0 [sflag:s8], $0x0  }
0x24: {  	s3 =	sadd.s32 $0x88, s3;
	s6 =	simm.s32 @!p1 $0x1082;
	[sflag:s4] =	ssyncset.s32 $0xFFFFF086  }
0x25: {  	[simem:s6], [sflag:s4] =	dma.local [hbm:s3], $0xF7A  }
0x26: {  	[smem:$0x3F99] =	sst s1;
	(tag) =	ssettag s2;
	_ =	strace s9  }
0x27: {  	s1 =	sld [smem:$0x3FA9]  }
0x28: {  	s2 =	sld [smem:$0x3FAA]  }
0x29: {  	s4 =	sld [smem:$0x3FAC]  }
0x2a: {  	p0 =	seq.s32 s5, $0x0;
	s5 =	sld [smem:$0x3FAD]  }
0x2b: {  	s6 =	sld [smem:$0x3FAE]  }
0x2c: {  	s7 =	sld [smem:$0x3FAF]  }
0x2d: {  	s3 =	simm.s32 $0x108;
	s8 =	sld [smem:$0x3FB0]  }
0x2e: {  	s3 =	simm.s32 @!p0 $0x1082;
	s9 =	sld [smem:$0x3FB1]  }
0x2f: {  	lr =	sadd.s32 s0, s3;
	s0 =	sld [smem:$0x3FA8]  }
0x30: {  	s3 =	sld [smem:$0x3FAB]  }
0x31: {  	[smem:$0x3FB4] =	sst s10  }
0x32: {  	s10 =	sld [smem:$0x3FB2];
	_ =	sdelay $0x3  }
0x33: {  	p0 =	seq.s32 s10, $0x1;
	s10 =	sld [smem:$0x3FB4];
	_ =	sdelay $0x3  }
0x34: {  	[smem:$0x3FB4] =	sst s10  }
0x35: {  	s10 =	sld [smem:$0x3FB3];
	_ =	sdelay $0x3  }
0x36: {  	p1 =	seq.s32 s10, $0x1;
	s10 =	sld [smem:$0x3FB4];
	_ =	sdelay $0x3  }
0x37: {  	[smem:$0x3FB4] =	sst s10  }
0x38: {  	s10 =	sld [smem:$0x3FB5]  }
0x39: {  	_ = 	snop;
	(pc) =	sbr.ind lr, $3  }
0x3a: {  	_ = 	snop  }
0x3b: {  	_ = 	snop  }
0x3c: {  	p2 =	seq.s32 s10, $0x1;
	s10 =	sld [smem:$0x3FB4]  }
0x3d: {  	_ =	shalt  }
0x3e: {  	_ =	shalt  }
0x3f: {  	_ =	shalt  }
0x40: {  	_ =	shalt  }
0x41: {  	_ =	shalt  }
0x42: {  	_ =	shalt  }
0x43: {  	_ =	shalt  }
0x44: {  	_ =	shalt  }
0x45: {  	_ =	shalt  }
0x46: {  	_ =	shalt  }
0x47: {  	_ =	shalt  }
0x48: {  	_ =	shalt  }
0x49: {  	_ =	shalt  }
0x4a: {  	_ =	shalt  }
0x4b: {  	_ =	shalt  }
0x4c: {  	_ =	shalt  }
0x4d: {  	_ =	shalt  }
0x4e: {  	_ =	shalt  }
0x4f: {  	_ =	shalt  }
0x50: {  	_ =	shalt  }
0x51: {  	_ =	shalt  }
0x52: {  	_ =	shalt  }
0x53: {  	_ =	shalt  }
0x54: {  	_ =	shalt  }
0x55: {  	_ =	shalt  }
0x56: {  	_ =	shalt  }
0x57: {  	_ =	shalt  }
0x58: {  	_ =	shalt  }
0x59: {  	_ =	shalt  }
0x5a: {  	_ =	shalt  }
0x5b: {  	_ =	shalt  }
0x5c: {  	_ =	shalt  }
0x5d: {  	_ =	shalt  }
0x5e: {  	_ =	shalt  }
0x5f: {  	_ =	shalt  }
0x60: {  	_ =	shalt  }
0x61: {  	_ =	shalt  }
0x62: {  	_ =	shalt  }
0x63: {  	_ =	shalt  }
0x64: {  	_ =	shalt  }
0x65: {  	_ =	shalt  }
0x66: {  	_ =	shalt  }
0x67: {  	_ =	shalt  }
0x68: {  	_ =	shalt  }
0x69: {  	_ =	shalt  }
0x6a: {  	_ =	shalt  }
0x6b: {  	_ =	shalt  }
0x6c: {  	_ =	shalt  }
0x6d: {  	_ =	shalt  }
0x6e: {  	_ =	shalt  }
0x6f: {  	_ =	shalt  }
0x70: {  	_ =	shalt  }
0x71: {  	_ =	shalt  }
0x72: {  	_ =	shalt  }
0x73: {  	_ =	shalt  }
0x74: {  	_ =	shalt  }
0x75: {  	_ =	shalt  }
0x76: {  	_ =	shalt  }
0x77: {  	_ =	shalt  }
0x78: {  	_ =	shalt  }
0x79: {  	_ =	shalt  }
0x7a: {  	_ =	shalt  }
0x7b: {  	_ =	shalt  }
0x7c: {  	_ =	shalt  }
0x7d: {  	_ =	shalt  }
0x7e: {  	_ =	shalt  }
0x7f: {  	_ =	shalt  }
0x80: {  	_ =	shalt  }
0x81: {  	_ =	shalt  }
0x82: {  	_ =	shalt  }
0x83: {  	_ =	shalt  }
0x84: {  	_ =	shalt  }
0x85: {  	_ =	shalt  }
0x86: {  	_ =	shalt  }
0x87: {  	_ =	shalt  }
.Lfunc_end0:
.L_simem_size_0:
called_computation_lowered:
.L_overlay_start_0:
0x88: {  	s2 =	sld [smem:$0x3FD9]  }
0x89: {  	s3 =	sld [smem:$0x3FFE];
	_ =	sdelay $0x1  }
0x8a: {  	s1 =	srdreg.scid  }
0x8b: {  	s0 =	sand.u32 $0x1, s1  }
0x8c: {  	s16 =	sshll.u32 s0, $0xA;
	s2 =	sadd.s32 s3, s2  }
0x8d: {  	s2 =	sadd.s32 s2, s16  }
0x8e: {  	[smem:$0x3FC0] =	sst s2  }
0x8f: {  	_ = 	snop  }
0x90: {  	(tm) =	ssettm $0x1  }
0x91: {  	s17 =	sld [smem:$0x3FFB];
	_ =	sdelay $0x3  }
0x92: {  	_ =	strace s17  }
0x93: {  	s2 =	sld [smem:$0x3FFC];
	_ =	sdelay $0x3  }
0x94: {  	_ =	strace s2  }
0x95: {  	s2 =	sld [smem:$0x3FFD];
	_ =	sdelay $0x3  }
0x96: {  	_ =	strace s2  }
0x97: {  	_ =	strace $0x8FFFFFFF  }
0x98: {  	s18 =	sld [smem:$0x3FDB];
	_ =	sdelay $0x1  }
0x99: {  	s19 =	simm.s32 $_scs_section_size  }
0x9a: {  	s4 =	simm.s32 $_size__tile_overlayer_lowered;
	s5 =	simm.s32 $_tile_overlayer_lowered  }
0x9b: {  	s22 =	simm.s32 $0x1BFF;
	s21 =	sshll.u32 s5, $0x1;
	s2 =	sadd.s32 s19, s18  }
0x9c: {  	s6 =	simm.s32 $0x0;
	s20 =	sshll.u32 s4, $0x1;
	s4 =	sadd.s32 s21, s2  }
0x9d: {  	[timem:s6], [sflag:s22] =	dma.local [hbm:s4], s20  }
0x9e: {  	_ =	swait.ge [sflag:s22], s20  }
0x9f: {  	s3 =	ssub.s32 $0x0, s20;
	[sflag:s22] =	ssyncset.done $0x0  }
0xa0: {  	[sflag:s22] =	ssyncadd.s32 s3;
	_ =	sdelay $0x1  }
0xa1: {  	s23 =	simm.s32 $0x1B8B  }
0xa2: {  	_ =	swait.ge [sflag:s23], $0x1  }
0xa3: {  	[sflag:s23] =	ssyncset.done $0x0  }
0xa4: {  	s25 =	simm.s32 $0x1B8E;
	s24 =	sld [smem:$0x3FFE];
	[sflag:s23] =	ssyncadd.s32 $0xFFFFFFFF  }
0xa5: {  	s26 =	simm.s32 $execute0_lowered;
	[smem:$0x3FD2] =	sst s25  }
0xa6: {  	s4 =	sshll.u32 s26, $0x1;
	_ =	strace $0x80000046;
	[dreg:$0x1] =	wrdreg $0xFFFFFFFF  }
0xa7: {  	s28 =	simm.s32 $_size_execute0_lowered;
	s2 =	sadd.s32 s2, s4;
	[dreg:$0x0] =	wrdreg $0x0  }
0xa8: {  	s4 =	sshll.u32 s28, $0x1;
	[dreg:$0x2] =	wrdreg s2  }
0xa9: {  	[dreg:$0x3] =	wrdreg s4  }
0xaa: {  	[dreg:$0x4] =	wrdreg $0xC0  }
0xab: {  	_ =	task [dreg:s6], $0x5FFFF  }
0xac: {  	[dreg:$0x1] =	wrdreg $0xFFFFFFFF  }
0xad: {  	[dreg:$0x0] =	wrdreg $0x60  }
0xae: {  	[dreg:$0x2] =	wrdreg s24  }
0xaf: {  	[dreg:$0x3] =	wrdreg $0x9  }
0xb0: {  	_ =	task.clear_ibuf [dreg:s6], $0x4FFFF;
	_ =	strace $0x90000046  }
0xb1: {  	s29 =	simm.s32 $0x9;
	_ =	strace $0x80000048  }
0xb2: {  	_ =	swait.ge [sflag:s29], $0x1  }
0xb3: {  	[sflag:s29] =	ssyncadd.s32 $0xFFFFFFFF  }
0xb4: {  	_ =	strace $0x90000048  }
0xb5: {  	_ =	sfence  }
0xb6: {  	s30 =	sld [smem:$0x0];
	_ =	sdelay $0x2  }
0xb7: {  	s31 =	sshll.u32 s1, $0xD;
	s1 =	sshrl.u32 s1, $0x2  }
0xb8: {  	s3 =	sand.u32 $0x4000, s31;
	s1 =	sadd.s32 s1, s30  }
0xb9: {  	s0 =	sor.u32 s3, s0;
	s1 =	sshll.u32 s1, $0x11  }
0xba: {  	s0 =	sor.u32 s1, s0  }
0xbb: {  	s0 =	sadd.s32 $0x8F2B, s0  }
0xbc: {  	[sflag:s0] =	ssyncadd.remote.s32 $0x1  }
0xbd: {  	_ =	sfence.sel $0xFFFF  }
0xbe: {  	[dreg:$0x0] =	wrdreg $0xFFFFFFFF;
	(pc) =	sbr.abs _section_cstart, $3  }
0xbf: {  	[dreg:$0x1] =	wrdreg $0xFFFFFFFF  }
0xc0: {  	_ =	task.clear_ibuf [dreg:s6], $0x2FFFF;
	_ =	strace $0x9FFFFFFF  }
0xc1: {  	(tm) =	ssettm $0x7FFFFFFF  }
tec
execute0_lowered:
.L_overlay_start_1:
0x0: {  	(tag) =	ssettag $0x1  }
0x1: {  	s7 =	rddreg [dreg:$0x0]  }
0x2: {  	s0 =	rddreg [dreg:$0x1];
	s2 =	simm.s32 $0x0;
	s3 =	srdreg.scid  }
0x3: {  	s1 =	stileid.u32;
	s11 =	simm.s32 $0x80;
	s12 =	simm.s32 $0x1000  }
0x4: {  	s13 =	simm.s32 $0x270;
	s14 =	simm.s32 $0x1BF0;
	s15 =	simm.s32 $0x2  }
0x5: {  	s16 =	simm.s32 $0x1B70;
	s17 =	simm.s32 $0x1;
	s18 =	simm.s32 $0x2BF0  }
0x6: {  	s19 =	simm.s32 $0x33F0;
	s20 =	simm.s32 $0x23F0;
	s21 =	simm.s32 $0x0  }
0x7: {  	[smem:$0x7FF] =	sst s2;
	s5 =	sand.u32 $0x1, s3;
	s4 =	sshll.u32 s1, $0x8  }
0x8: {  	s3 =	sadd.s32 $0x2000, s7;
	_ =	strace $0x80000047;
	s6 =	sshll.u32 s5, $0x7  }
0x9: {  	s8 =	ssub.s32 $0x2, s5;
	s5 =	sadd.s32 $0x53400, s7;
	s4 =	sor.u32 s6, s4  }
0xa: {  	s10 =	sshrl.u32 s8, $0x1;
	s6 =	sadd.s32 $0x13D8200, s7;
	s9 =	sshrl.u32 s4, $0x3  }
0xb: {  	v1 =	vlaneseq.u32;
	s10 =	ssub.s32 s8, s10;
	s9 =	sadd.s32 s9, s7;
	s7 =	sadd.s32 $0x1C00, s7  }
0xc: {  	v0 =	vimm.f32 $0.0e+00;
	v1 =	vmul.u32 $0x10, v1;
	s8 =	sadd.s32 $0x54E00, s9;
	s9 =	smax.u32 s10, $0x1;
	s10 =	simm.s32 $0x3  }
.LBB2_1:
0xd: {  	[tilespmem:s2], [sflag:$0x3] =	stream.linear.gather [hbm4b:s7+s2], $0x270, $0x38;
	[tilespmem:$0x3470] =	vst v63  }
0xe: {  	_ =	swait.ge [sflag:s10], $0x270  }
0xf: {  	[sflag:s10] =	ssyncset.done $0x0  }
0x10: {  	s22 =	simm.s32 $0x0;
	[sflag:s10] =	ssyncadd.s32 $0xFFFFFD90  }
.LBB2_2:
0x11: {  	p0 =	sne.s32 s22, $0x1FC0  }
.Ltmp0:
0x12: {  	_ = 	snop;
	(pc) =	sbr.rel @p0 .LBB2_2-.Ltmp0, $3  }
0x13: {  	_ =	sdelay $0x1  }
0x14: {  	s23 =	sshra.s32 s22, $0x2  }
0x15: {  	s22 =	sadd.s32 $0x40, s22;
	[tilespmem:s23+$0x2BF0] =	vst v0  }
.Ltmp1:
0x16: {  	(pc) =	sbr.rel .LBB2_4-.Ltmp1, $2  }
0x17: {  	_ =	sdelay $0x2  }
0x18: {  	s22 =	simm.s32 $0x0  }
.LBB2_15:
0x19: {  	s22 =	sadd.s32 $0x1, s22  }
0x1a: {  	p0 =	sne.s32 s22, $0xD  }
.Ltmp2:
0x1b: {  	_ = 	snop;
	(pc) =	sbr.rel @!p0 .LBB2_16-.Ltmp2, $2  }
0x1c: {  	_ =	sdelay $0x2  }
0x1d: {  	s23 =	simm.s32 $0x0  }
.LBB2_4:
0x1e: {  	s23 =	smul.u32 $0x32000, s22;
	_ =	sdelay $0x1  }
0x1f: {  	s23 =	sor.u32 s4, s23  }
0x20: {  	s23 =	sshrl.u32 s23, $0x3  }
0x21: {  	s23 =	sadd.s32 s3, s23  }
0x22: {  	[tilespmem:s13], [sflag:$0x3] =	stream.strided.gather [hbm4b:s23+s11], $0x1900, s12, s11, $0x38;
	[tilespmem:$0x3470] =	vst v63  }
0x23: {  	_ =	swait.ge [sflag:s10], $0x1900  }
0x24: {  	s31 =	sshll.u32 s22, $0x4;
	[sflag:s10] =	ssyncset.done $0x0  }
0x25: {  	s23 =	sand.u32 $0x3FFFFFF0, s31;
	[sflag:s10] =	ssyncadd.s32 $0xFFFFE700  }
0x26: {  	v2 =	vld [tilespmem:s23+$0xD0];
	s23 =	simm.s32 $0x70  }
0x27: {  	v6 =	vld [tilespmem:s23+$0x200]  }
0x28: {  	v8 =	vld [tilespmem:s23+$0x210]  }
0x29: {  	s24 =	smul.u32 $0x186A0, s22;
	v7 =	vld [tilespmem:s23+$0x220]  }
0x2a: {  	v4 =	vld [tilespmem:s23+$0x230]  }
0x2b: {  	v3 =	vmov s24;
	v5 =	vld [tilespmem:s23+$0x240]  }
0x2c: {  	v9 =	vadd.s32 v3, v6;
	v6 =	vld [tilespmem:s23+$0x250]  }
0x2d: {  	s24 =	simm.s32 $0x3C0;
	[tilespmem:s23+$0x200] =	vst v9;
	v9 =	vadd.s32 v3, v8;
	v8 =	vld [tilespmem:s23+$0x260]  }
.LBB2_5:
0x2e: {  	s25 =	sshra.s32 s24, $0x2;
	p0 =	sne.s32 s24, $0x63C0;
	[tilespmem:s23+$0x210] =	vst v9;
	v7 =	vadd.s32 v3, v7;
	v9 =	vld [tilespmem:s23+$0x270]  }
0x2f: {  	v10 =	vld [tilespmem:s25+$0x200];
	[tilespmem:s23+$0x220] =	vst v7;
	v4 =	vadd.s32 v3, v4  }
0x30: {  	v11 =	vld [tilespmem:s25+$0x210];
	[tilespmem:s23+$0x230] =	vst v4;
	v4 =	vadd.s32 v3, v5  }
.Ltmp3:
0x31: {  	v7 =	vld [tilespmem:s25+$0x220];
	[tilespmem:s23+$0x240] =	vst v4;
	v5 =	vadd.s32 v3, v6;
	(pc) =	sbr.rel @p0 .LBB2_5-.Ltmp3, $4  }
0x32: {  	v4 =	vld [tilespmem:s25+$0x230];
	[tilespmem:s23+$0x250] =	vst v5;
	v6 =	vadd.s32 v3, v8  }
0x33: {  	v5 =	vld [tilespmem:s25+$0x240];
	[tilespmem:s23+$0x260] =	vst v6;
	v8 =	vadd.s32 v3, v9  }
0x34: {  	v9 =	vadd.s32 v3, v10;
	v6 =	vld [tilespmem:s25+$0x250];
	[tilespmem:s23+$0x270] =	vst v8;
	s23 =	smov.u32 s25  }
0x35: {  	s24 =	sadd.s32 $0x200, s24;
	[tilespmem:s23+$0x200] =	vst v9;
	v9 =	vadd.s32 v3, v11;
	v8 =	vld [tilespmem:s23+$0x260]  }
0x36: {  	[tilespmem:s23+$0x210] =	vst v9;
	v7 =	vadd.s32 v3, v7;
	v60 =	vld [tilespmem:s23+$0x270]  }
0x37: {  	[tilespmem:s23+$0x220] =	vst v7;
	v4 =	vadd.s32 v3, v4  }
0x38: {  	[tilespmem:s23+$0x230] =	vst v4;
	v61 =	vadd.s32 v3, v5  }
.Ltmp4:
0x39: {  	[tilespmem:s23+$0x240] =	vst v61;
	v62 =	vadd.s32 v3, v6;
	(pc) =	sbr.rel .LBB2_7-.Ltmp4, $4  }
0x3a: {  	[tilespmem:s23+$0x250] =	vst v62;
	v63 =	vadd.s32 v3, v8  }
0x3b: {  	[tilespmem:s23+$0x260] =	vst v63;
	v3 =	vadd.s32 v3, v60  }
0x3c: {  	[tilespmem:s23+$0x270] =	vst v3;
	s23 =	simm.s32 $0x0  }
0x3d: {  	[tilespmem:s14], [sflag:$0x1] =	stream.indirect.gather [hbm4b:s6+s11], $0x10, s13, s11, $0xb8;
	[tilespmem:$0x3470] =	vst v63  }
.LBB2_13:
0x3e: {  	v3 =	vld [tilespmem:s24+$0x2460]  }
0x3f: {  	v4 =	vld [tilespmem:s24+$0x23F0]  }
0x40: {  	v5 =	vld [tilespmem:s24+$0x2400]  }
0x41: {  	v6 =	vld [tilespmem:s24+$0x2410]  }
0x42: {  	v7 =	vld [tilespmem:s24+$0x2420]  }
0x43: {  	v8 =	vld [tilespmem:s24+$0x2430]  }
0x44: {  	v9 =	vld [tilespmem:s24+$0x2440];
	v3 =	vmul.f32 v3, v2  }
0x45: {  	v61 =	vld [tilespmem:s24+$0x2450];
	v4 =	vmul.f32 v4, v2  }
0x46: {  	v6 =	vmul.f32 v6, v2;
	[tilespmem:s24+$0x2C60] =	vst.add.f32.msk $0xffff, v3  }
0x47: {  	v3 =	vmul.f32 v5, v2;
	[tilespmem:s24+$0x2BF0] =	vst.add.f32.msk $0xffff, v4  }
0x48: {  	v62 =	vmul.f32 v7, v2;
	[tilespmem:s24+$0x2C10] =	vst.add.f32.msk $0xffff, v6  }
0x49: {  	[tilespmem:s24+$0x2C00] =	vst.add.f32.msk $0xffff, v3;
	v3 =	vmul.f32 v8, v2  }
0x4a: {  	v63 =	vmul.f32 v9, v2;
	[tilespmem:s24+$0x2C20] =	vst.add.f32.msk $0xffff, v62  }
0x4b: {  	[tilespmem:s24+$0x2C30] =	vst.add.f32.msk $0xffff, v3;
	v3 =	vmul.f32 v61, v2  }
0x4c: {  	[tilespmem:s24+$0x2C40] =	vst.add.f32.msk $0xffff, v63  }
0x4d: {  	[tilespmem:s24+$0x2C50] =	vst.add.f32.msk $0xffff, v3  }
.LBB2_14:
0x4e: {  	s23 =	sadd.s32 $0x1, s23  }
0x4f: {  	p0 =	sne.s32 s23, $0x32  }
.Ltmp5:
0x50: {  	_ = 	snop;
	(pc) =	sbr.rel @!p0 .LBB2_15-.Ltmp5, $1  }
0x51: {  	_ =	sdelay $0x3  }
.LBB2_7:
0x52: {  	s24 =	sand.u32 $0x1, s23  }
0x53: {  	p0 =	seq.s32 s24, $0x1  }
.Ltmp6:
0x54: {  	_ = 	snop;
	(pc) =	sbr.rel @p0 .LBB2_11-.Ltmp6, $1  }
0x55: {  	_ =	sdelay $0x3  }
0x56: {  	s25 =	sshll.u32 s23, $0x7  }
0x57: {  	s25 =	sand.u32 $0x3FFFFF80, s25  }
0x58: {  	s25 =	sadd.s32 $0x2F0, s25  }
0x59: {  	[tilespmem:s20], [sflag:$0x2] =	stream.indirect.gather [hbm4b:s6+s11], $0x10, s25, s11, $0xb8;
	[tilespmem:$0x3470] =	vst v63  }
0x5a: {  	_ =	swait.ge [sflag:s17], $0x800  }
0x5b: {  	[sflag:s17] =	ssyncset.done $0x0  }
0x5c: {  	s26 =	simm.s32 $0x200;
	s25 =	simm.s32 $0x0;
	[sflag:s17] =	ssyncadd.s32 $0xFFFFF800  }
.LBB2_9:
0x5d: {  	p0 =	sne.s32 s26, $0x1E00;
	v3 =	vld [tilespmem:s25+$0x1C60]  }
0x5e: {  	v4 =	vld [tilespmem:s25+$0x1BF0]  }
0x5f: {  	v5 =	vld [tilespmem:s25+$0x1C00]  }
0x60: {  	v6 =	vld [tilespmem:s25+$0x1C10]  }
0x61: {  	v7 =	vld [tilespmem:s25+$0x1C20]  }
0x62: {  	v8 =	vld [tilespmem:s25+$0x1C30];
	v3 =	vmul.f32 v3, v2  }
0x63: {  	v4 =	vmul.f32 v4, v2;
	v9 =	vld [tilespmem:s25+$0x1C40]  }
0x64: {  	v5 =	vmul.f32 v5, v2;
	[tilespmem:s25+$0x2C60] =	vst.add.f32.msk $0xffff, v3  }
0x65: {  	v3 =	vmul.f32 v6, v2;
	v6 =	vld [tilespmem:s25+$0x1C50]  }
0x66: {  	[tilespmem:s25+$0x2BF0] =	vst.add.f32.msk $0xffff, v4;
	v4 =	vmul.f32 v7, v2  }
0x67: {  	[tilespmem:s25+$0x2C00] =	vst.add.f32.msk $0xffff, v5;
	v5 =	vmul.f32 v8, v2  }
.Ltmp7:
0x68: {  	[tilespmem:s25+$0x2C10] =	vst.add.f32.msk $0xffff, v3;
	v3 =	vmul.f32 v9, v2;
	(pc) =	sbr.rel @p0 .LBB2_9-.Ltmp7, $4  }
0x69: {  	[tilespmem:s25+$0x2C20] =	vst.add.f32.msk $0xffff, v4  }
0x6a: {  	[tilespmem:s25+$0x2C30] =	vst.add.f32.msk $0xffff, v5;
	v4 =	vmul.f32 v6, v2  }
0x6b: {  	[tilespmem:s25+$0x2C40] =	vst.add.f32.msk $0xffff, v3  }
0x6c: {  	[tilespmem:s25+$0x2C50] =	vst.add.f32.msk $0xffff, v4;
	s25 =	sshra.s32 s26, $0x2;
	s26 =	sadd.s32 $0x200, s26  }
0x6d: {  	v3 =	vld [tilespmem:s25+$0x1C60]  }
0x6e: {  	v4 =	vld [tilespmem:s25+$0x1BF0]  }
0x6f: {  	v5 =	vld [tilespmem:s25+$0x1C00]  }
0x70: {  	v6 =	vld [tilespmem:s25+$0x1C10]  }
0x71: {  	v7 =	vld [tilespmem:s25+$0x1C20]  }
0x72: {  	v8 =	vld [tilespmem:s25+$0x1C30]  }
0x73: {  	v9 =	vld [tilespmem:s25+$0x1C40];
	v3 =	vmul.f32 v3, v2  }
0x74: {  	v61 =	vld [tilespmem:s25+$0x1C50];
	v4 =	vmul.f32 v4, v2  }
0x75: {  	v6 =	vmul.f32 v6, v2;
	[tilespmem:s25+$0x2C60] =	vst.add.f32.msk $0xffff, v3  }
0x76: {  	v3 =	vmul.f32 v5, v2;
	[tilespmem:s25+$0x2BF0] =	vst.add.f32.msk $0xffff, v4  }
0x77: {  	p0 =	seq.s32 s24, $0x0;
	v62 =	vmul.f32 v7, v2;
	[tilespmem:s25+$0x2C10] =	vst.add.f32.msk $0xffff, v6  }
.Ltmp8:
0x78: {  	[tilespmem:s25+$0x2C00] =	vst.add.f32.msk $0xffff, v3;
	v3 =	vmul.f32 v8, v2;
	(pc) =	sbr.rel @p0 .LBB2_14-.Ltmp8, $4  }
0x79: {  	v63 =	vmul.f32 v9, v2;
	[tilespmem:s25+$0x2C20] =	vst.add.f32.msk $0xffff, v62  }
0x7a: {  	[tilespmem:s25+$0x2C30] =	vst.add.f32.msk $0xffff, v3;
	v3 =	vmul.f32 v61, v2  }
0x7b: {  	[tilespmem:s25+$0x2C40] =	vst.add.f32.msk $0xffff, v63  }
0x7c: {  	[tilespmem:s25+$0x2C50] =	vst.add.f32.msk $0xffff, v3  }
.LBB2_11:
0x7d: {  	p0 =	seq.s32 s23, $0x31  }
0x7e: {  	s24 =	sshll.u32 @!p0 s23, $0x7  }
0x7f: {  	s24 =	sand.u32 @!p0 $0x3FFFFF80, s24  }
0x80: {  	s25 =	simm.s32 @!p0 $0x80;
	s26 =	simm.s32 @!p0 $0x1BF0;
	s24 =	sadd.s32 @!p0 $0x2F0, s24  }
0x81: {  	[tilespmem:s26], [sflag:$0x1] =	stream.indirect.gather @!p0 [hbm4b:s6+s25], $0x10, s24, s25, $0xb8;
	[tilespmem:$0x3470] =	vst v63  }
0x82: {  	_ =	swait.ge [sflag:s15], $0x800  }
0x83: {  	[sflag:s15] =	ssyncset.done $0x0  }
0x84: {  	s24 =	simm.s32 $0x0;
	s25 =	simm.s32 $0x200;
	[sflag:s15] =	ssyncadd.s32 $0xFFFFF800  }
.LBB2_12:
0x85: {  	p0 =	sne.s32 s25, $0x1E00;
	v3 =	vld [tilespmem:s24+$0x2460]  }
0x86: {  	v4 =	vld [tilespmem:s24+$0x23F0]  }
0x87: {  	v5 =	vld [tilespmem:s24+$0x2400]  }
0x88: {  	v6 =	vld [tilespmem:s24+$0x2410]  }
0x89: {  	v7 =	vld [tilespmem:s24+$0x2420]  }
0x8a: {  	v8 =	vld [tilespmem:s24+$0x2430];
	v3 =	vmul.f32 v3, v2  }
0x8b: {  	v4 =	vmul.f32 v4, v2;
	v9 =	vld [tilespmem:s24+$0x2440]  }
0x8c: {  	v5 =	vmul.f32 v5, v2;
	[tilespmem:s24+$0x2C60] =	vst.add.f32.msk $0xffff, v3  }
0x8d: {  	v3 =	vmul.f32 v6, v2;
	v6 =	vld [tilespmem:s24+$0x2450]  }
0x8e: {  	[tilespmem:s24+$0x2BF0] =	vst.add.f32.msk $0xffff, v4;
	v4 =	vmul.f32 v7, v2  }
0x8f: {  	[tilespmem:s24+$0x2C00] =	vst.add.f32.msk $0xffff, v5;
	v5 =	vmul.f32 v8, v2  }
.Ltmp9:
0x90: {  	[tilespmem:s24+$0x2C10] =	vst.add.f32.msk $0xffff, v3;
	v3 =	vmul.f32 v9, v2;
	(pc) =	sbr.rel @p0 .LBB2_12-.Ltmp9, $4  }
0x91: {  	[tilespmem:s24+$0x2C20] =	vst.add.f32.msk $0xffff, v4  }
0x92: {  	[tilespmem:s24+$0x2C30] =	vst.add.f32.msk $0xffff, v5;
	v4 =	vmul.f32 v6, v2  }
0x93: {  	[tilespmem:s24+$0x2C40] =	vst.add.f32.msk $0xffff, v3  }
0x94: {  	[tilespmem:s24+$0x2C50] =	vst.add.f32.msk $0xffff, v4;
	s24 =	sshra.s32 s25, $0x2;
	s25 =	sadd.s32 $0x200, s25  }
.Ltmp10:
0x95: {  	_ = 	snop;
	(pc) =	sbr.rel .LBB2_13-.Ltmp10, $1  }
0x96: {  	_ =	sdelay $0x3  }
.LBB2_16:
0x97: {  	s22 =	simm.s32 $0x0  }
.LBB2_17:
0x98: {  	s24 =	sshll.u32 s22, $0xC  }
0x99: {  	s24 =	sor.u32 s4, s24  }
0x9a: {  	s24 =	sshrl.u32 s24, $0x3  }
0x9b: {  	s24 =	sadd.s32 s5, s24  }
0x9c: {  	[tilespmem:s16], [sflag:$0x3] =	stream.linear.gather [hbm4b:s24+s23], $0x80, $0x38;
	[tilespmem:$0x3470] =	vst v63  }
0x9d: {  	_ =	swait.ge [sflag:s10], $0x80  }
0x9e: {  	[sflag:s10] =	ssyncset.done $0x0  }
0x9f: {  	[sflag:s10] =	ssyncadd.s32 $0xFFFFFF80  }
0xa0: {  	v2 =	vld [tilespmem:$0x1B70]  }
0xa1: {  	v3 =	vld [tilespmem:$0x1B80]  }
0xa2: {  	v4 =	vld [tilespmem:$0x1B90]  }
0xa3: {  	s30 =	smul.u32 $0x186A0, s22;
	v5 =	vld [tilespmem:$0x1BA0]  }
0xa4: {  	v6 =	vld [tilespmem:$0x1BB0]  }
0xa5: {  	v7 =	vld [tilespmem:$0x1BC0];
	v2 =	vadd.s32 s30, v2  }
0xa6: {  	[tilespmem:$0x1B70] =	vst v2;
	v2 =	vadd.s32 s30, v3;
	v3 =	vld [tilespmem:$0x1BD0]  }
0xa7: {  	v63 =	vld [tilespmem:$0x1BE0];
	[tilespmem:$0x1B80] =	vst v2;
	v2 =	vadd.s32 s30, v4  }
0xa8: {  	[tilespmem:$0x1B90] =	vst v2;
	v2 =	vadd.s32 s30, v5  }
0xa9: {  	[tilespmem:$0x1BA0] =	vst v2;
	v2 =	vadd.s32 s30, v6  }
0xaa: {  	[tilespmem:$0x1BB0] =	vst v2;
	v2 =	vadd.s32 s30, v7  }
0xab: {  	[tilespmem:$0x1BC0] =	vst v2;
	v2 =	vadd.s32 s30, v3  }
0xac: {  	[tilespmem:$0x1BD0] =	vst v2;
	v2 =	vadd.s32 s30, v63  }
0xad: {  	[tilespmem:$0x1BE0] =	vst v2  }
0xae: {  	[tilespmem:s14], [sflag:$0x1] =	stream.indirect.gather [hbm4b:s6+s11], $0x10, s16, s11, $0xb8;
	[tilespmem:$0x3470] =	vst v63  }
0xaf: {  	_ =	swait.ge [sflag:s17], $0x800  }
0xb0: {  	s31 =	sshll.u32 s22, $0x4;
	[sflag:s17] =	ssyncset.done $0x0  }
0xb1: {  	s24 =	sand.u32 $0x3FFFFFF0, s31;
	[sflag:s17] =	ssyncadd.s32 $0xFFFFF800  }
0xb2: {  	s25 =	simm.s32 $0x200;
	v2 =	vld [tilespmem:s24+$0x0];
	s24 =	simm.s32 $0x0  }
.LBB2_18:
0xb3: {  	p0 =	sne.s32 s25, $0x1E00;
	v3 =	vld [tilespmem:s24+$0x1C60]  }
0xb4: {  	v4 =	vld [tilespmem:s24+$0x1BF0]  }
0xb5: {  	v5 =	vld [tilespmem:s24+$0x1C00]  }
0xb6: {  	v6 =	vld [tilespmem:s24+$0x1C10]  }
0xb7: {  	v7 =	vld [tilespmem:s24+$0x1C20]  }
0xb8: {  	v8 =	vld [tilespmem:s24+$0x1C30];
	v3 =	vmul.f32 v3, v2  }
0xb9: {  	v4 =	vmul.f32 v4, v2;
	v9 =	vld [tilespmem:s24+$0x1C40]  }
0xba: {  	v5 =	vmul.f32 v5, v2;
	[tilespmem:s24+$0x2C60] =	vst.add.f32.msk $0xffff, v3  }
0xbb: {  	v3 =	vmul.f32 v6, v2;
	v6 =	vld [tilespmem:s24+$0x1C50]  }
0xbc: {  	[tilespmem:s24+$0x2BF0] =	vst.add.f32.msk $0xffff, v4;
	v4 =	vmul.f32 v7, v2  }
0xbd: {  	[tilespmem:s24+$0x2C00] =	vst.add.f32.msk $0xffff, v5;
	v5 =	vmul.f32 v8, v2  }
.Ltmp11:
0xbe: {  	[tilespmem:s24+$0x2C10] =	vst.add.f32.msk $0xffff, v3;
	v3 =	vmul.f32 v9, v2;
	(pc) =	sbr.rel @p0 .LBB2_18-.Ltmp11, $4  }
0xbf: {  	[tilespmem:s24+$0x2C20] =	vst.add.f32.msk $0xffff, v4  }
0xc0: {  	[tilespmem:s24+$0x2C30] =	vst.add.f32.msk $0xffff, v5;
	v4 =	vmul.f32 v6, v2  }
0xc1: {  	[tilespmem:s24+$0x2C40] =	vst.add.f32.msk $0xffff, v3  }
0xc2: {  	[tilespmem:s24+$0x2C50] =	vst.add.f32.msk $0xffff, v4;
	s24 =	sshra.s32 s25, $0x2;
	s25 =	sadd.s32 $0x200, s25  }
0xc3: {  	v3 =	vld [tilespmem:s24+$0x1C60]  }
0xc4: {  	v4 =	vld [tilespmem:s24+$0x1BF0]  }
0xc5: {  	v5 =	vld [tilespmem:s24+$0x1C00]  }
0xc6: {  	v6 =	vld [tilespmem:s24+$0x1C10]  }
0xc7: {  	v7 =	vld [tilespmem:s24+$0x1C20]  }
0xc8: {  	v8 =	vld [tilespmem:s24+$0x1C30]  }
0xc9: {  	v9 =	vld [tilespmem:s24+$0x1C40];
	v3 =	vmul.f32 v3, v2  }
0xca: {  	v61 =	vld [tilespmem:s24+$0x1C50];
	v4 =	vmul.f32 v4, v2  }
0xcb: {  	v6 =	vmul.f32 v6, v2;
	[tilespmem:s24+$0x2C60] =	vst.add.f32.msk $0xffff, v3  }
0xcc: {  	s22 =	sadd.s32 $0x1, s22;
	v62 =	vmul.f32 v7, v2;
	[tilespmem:s24+$0x2BF0] =	vst.add.f32.msk $0xffff, v4  }
0xcd: {  	p0 =	sne.s32 s22, $0xD;
	v3 =	vmul.f32 v5, v2;
	[tilespmem:s24+$0x2C10] =	vst.add.f32.msk $0xffff, v6  }
.Ltmp12:
0xce: {  	v63 =	vmul.f32 v9, v2;
	[tilespmem:s24+$0x2C20] =	vst.add.f32.msk $0xffff, v62;
	(pc) =	sbr.rel @p0 .LBB2_17-.Ltmp12, $4  }
0xcf: {  	[tilespmem:s24+$0x2C00] =	vst.add.f32.msk $0xffff, v3;
	v3 =	vmul.f32 v8, v2  }
0xd0: {  	[tilespmem:s24+$0x2C40] =	vst.add.f32.msk $0xffff, v63;
	v2 =	vmul.f32 v61, v2  }
0xd1: {  	[tilespmem:s24+$0x2C30] =	vst.add.f32.msk $0xffff, v3  }
0xd2: {  	[tilespmem:s24+$0x2C50] =	vst.add.f32.msk $0xffff, v2  }
0xd3: {  	s22 =	simm.s32 $0x0  }
0xd4: {  	v2 =	vmov s22  }
0xd5: {  	v2 =	vshll.u32 v2, $0x4  }
0xd6: {  	v2 =	vor.u32 v1, v2;
	_ =	sdelay $0x1  }
0xd7: {  	v3 =	vor.u32 $0x1, v2;
	_ =	sdelay $0x1  }
0xd8: {  	v4 =	vor.u32 $0x2, v2  }
0xd9: {  	v5 =	vld.idx.msk [tilespmem:v2+s18+$0x0], $0xffff  }
0xda: {  	v6 =	vor.u32 $0x3, v2  }
0xdb: {  	v3 =	vld.idx.msk [tilespmem:v3+s18+$0x0], $0xffff  }
0xdc: {  	v7 =	vor.u32 $0x4, v2  }
0xdd: {  	v4 =	vld.idx.msk [tilespmem:v4+s18+$0x0], $0xffff  }
0xde: {  	v8 =	vor.u32 $0x5, v2;
	v5 =	vadd.f32 $0.0e+00, v5  }
0xdf: {  	v6 =	vld.idx.msk [tilespmem:v6+s18+$0x0], $0xffff  }
0xe0: {  	v9 =	vor.u32 $0x6, v2;
	v3 =	vadd.f32 v3, v5  }
0xe1: {  	v5 =	vld.idx.msk [tilespmem:v7+s18+$0x0], $0xffff  }
0xe2: {  	v7 =	vor.u32 $0x7, v2;
	v3 =	vadd.f32 v4, v3  }
0xe3: {  	v4 =	vld.idx.msk [tilespmem:v8+s18+$0x0], $0xffff  }
0xe4: {  	v52 =	vor.u32 $0x8, v2;
	v3 =	vadd.f32 v6, v3  }
0xe5: {  	v6 =	vld.idx.msk [tilespmem:v9+s18+$0x0], $0xffff  }
0xe6: {  	v53 =	vor.u32 $0x9, v2;
	v3 =	vadd.f32 v5, v3  }
0xe7: {  	v5 =	vld.idx.msk [tilespmem:v7+s18+$0x0], $0xffff  }
0xe8: {  	v7 =	vor.u32 $0xA, v2;
	v3 =	vadd.f32 v4, v3  }
0xe9: {  	v4 =	vld.idx.msk [tilespmem:v52+s18+$0x0], $0xffff  }
0xea: {  	v54 =	vor.u32 $0xB, v2;
	v3 =	vadd.f32 v6, v3  }
0xeb: {  	v6 =	vld.idx.msk [tilespmem:v53+s18+$0x0], $0xffff  }
0xec: {  	v55 =	vor.u32 $0xC, v2;
	v3 =	vadd.f32 v5, v3  }
0xed: {  	v5 =	vld.idx.msk [tilespmem:v7+s18+$0x0], $0xffff  }
0xee: {  	v7 =	vor.u32 $0xD, v2;
	v3 =	vadd.f32 v4, v3  }
0xef: {  	v4 =	vld.idx.msk [tilespmem:v54+s18+$0x0], $0xffff  }
0xf0: {  	v56 =	vor.u32 $0xE, v2;
	v3 =	vadd.f32 v6, v3  }
0xf1: {  	v6 =	vld.idx.msk [tilespmem:v55+s18+$0x0], $0xffff  }
0xf2: {  	v2 =	vor.u32 $0xF, v2;
	v3 =	vadd.f32 v5, v3  }
0xf3: {  	v5 =	vld.idx.msk [tilespmem:v7+s18+$0x0], $0xffff  }
0xf4: {  	v3 =	vadd.f32 v4, v3  }
0xf5: {  	v4 =	vld.idx.msk [tilespmem:v56+s18+$0x0], $0xffff  }
0xf6: {  	v3 =	vadd.f32 v6, v3  }
0xf7: {  	s31 =	simm.s32 $0x10;
	v2 =	vld.idx.msk [tilespmem:v2+s18+$0x0], $0xffff  }
0xf8: {  	v6 =	vmov s31;
	v3 =	vadd.f32 v5, v3  }
0xf9: {  	v5 =	vshll.u32 v6, $0x4  }
0xfa: {  	v5 =	vor.u32 v1, v5;
	v3 =	vadd.f32 v4, v3;
	_ =	sdelay $0x1  }
0xfb: {  	v4 =	vor.u32 $0x1, v5;
	v2 =	vadd.f32 v2, v3  }
0xfc: {  	s22 =	simm.s32 $0x33F0  }
0xfd: {  	v3 =	vor.u32 $0x2, v5;
	[tilespmem:s22+$0x0] =	vst v2  }
0xfe: {  	v2 =	vld.idx.msk [tilespmem:v5+s18+$0x0], $0xffff  }
0xff: {  	v6 =	vor.u32 $0x3, v5  }
0x100: {  	v4 =	vld.idx.msk [tilespmem:v4+s18+$0x0], $0xffff  }
0x101: {  	v7 =	vor.u32 $0x4, v5  }
0x102: {  	v3 =	vld.idx.msk [tilespmem:v3+s18+$0x0], $0xffff  }
0x103: {  	v57 =	vor.u32 $0x5, v5;
	v2 =	vadd.f32 $0.0e+00, v2  }
0x104: {  	v6 =	vld.idx.msk [tilespmem:v6+s18+$0x0], $0xffff  }
0x105: {  	v58 =	vor.u32 $0x6, v5;
	v2 =	vadd.f32 v4, v2  }
0x106: {  	v4 =	vld.idx.msk [tilespmem:v7+s18+$0x0], $0xffff  }
0x107: {  	v7 =	vor.u32 $0x7, v5;
	v2 =	vadd.f32 v3, v2  }
0x108: {  	v3 =	vld.idx.msk [tilespmem:v57+s18+$0x0], $0xffff  }
0x109: {  	v59 =	vor.u32 $0x8, v5;
	v2 =	vadd.f32 v6, v2  }
0x10a: {  	v6 =	vld.idx.msk [tilespmem:v58+s18+$0x0], $0xffff  }
0x10b: {  	v60 =	vor.u32 $0x9, v5;
	v2 =	vadd.f32 v4, v2  }
0x10c: {  	v4 =	vld.idx.msk [tilespmem:v7+s18+$0x0], $0xffff  }
0x10d: {  	v7 =	vor.u32 $0xA, v5;
	v2 =	vadd.f32 v3, v2  }
0x10e: {  	v3 =	vld.idx.msk [tilespmem:v59+s18+$0x0], $0xffff  }
0x10f: {  	v61 =	vor.u32 $0xB, v5;
	v2 =	vadd.f32 v6, v2  }
0x110: {  	v6 =	vld.idx.msk [tilespmem:v60+s18+$0x0], $0xffff  }
0x111: {  	v62 =	vor.u32 $0xC, v5;
	v2 =	vadd.f32 v4, v2  }
0x112: {  	v4 =	vld.idx.msk [tilespmem:v7+s18+$0x0], $0xffff  }
0x113: {  	v7 =	vor.u32 $0xD, v5;
	v2 =	vadd.f32 v3, v2  }
0x114: {  	v3 =	vld.idx.msk [tilespmem:v61+s18+$0x0], $0xffff  }
0x115: {  	v63 =	vor.u32 $0xE, v5;
	v2 =	vadd.f32 v6, v2  }
0x116: {  	v6 =	vld.idx.msk [tilespmem:v62+s18+$0x0], $0xffff  }
0x117: {  	v2 =	vadd.f32 v4, v2;
	v4 =	vor.u32 $0xF, v5  }
0x118: {  	v7 =	vld.idx.msk [tilespmem:v7+s18+$0x0], $0xffff  }
0x119: {  	v2 =	vadd.f32 v3, v2  }
0x11a: {  	v3 =	vld.idx.msk [tilespmem:v63+s18+$0x0], $0xffff  }
0x11b: {  	v6 =	vadd.f32 v6, v2  }
0x11c: {  	s23 =	simm.s32 $0x20;
	v2 =	vld.idx.msk [tilespmem:v4+s18+$0x0], $0xffff  }
0x11d: {  	v5 =	vmov s23;
	s23 =	simm.s32 $0x30;
	v4 =	vadd.f32 v7, v6  }
.LBB2_21:
0x11e: {  	p0 =	sne.s32 s23, $0x70;
	v5 =	vshll.u32 v5, $0x4  }
0x11f: {  	v5 =	vor.u32 v1, v5;
	v3 =	vadd.f32 v3, v4;
	_ =	sdelay $0x1  }
0x120: {  	v4 =	vor.u32 $0x1, v5;
	v2 =	vadd.f32 v2, v3  }
0x121: {  	s22 =	sadd.s32 $0x10, s22  }
0x122: {  	v3 =	vor.u32 $0x2, v5;
	[tilespmem:s22+$0x0] =	vst v2  }
0x123: {  	v2 =	vld.idx.msk [tilespmem:v5+s18+$0x0], $0xffff  }
0x124: {  	v6 =	vor.u32 $0x3, v5  }
0x125: {  	v4 =	vld.idx.msk [tilespmem:v4+s18+$0x0], $0xffff  }
0x126: {  	v7 =	vor.u32 $0x4, v5  }
0x127: {  	v3 =	vld.idx.msk [tilespmem:v3+s18+$0x0], $0xffff  }
0x128: {  	v8 =	vor.u32 $0x5, v5  }
0x129: {  	v2 =	vadd.f32 $0.0e+00, v2;
	v6 =	vld.idx.msk [tilespmem:v6+s18+$0x0], $0xffff  }
0x12a: {  	v9 =	vor.u32 $0x6, v5  }
0x12b: {  	v2 =	vadd.f32 v4, v2;
	v4 =	vld.idx.msk [tilespmem:v7+s18+$0x0], $0xffff  }
0x12c: {  	v7 =	vor.u32 $0x7, v5  }
0x12d: {  	v2 =	vadd.f32 v3, v2;
	v3 =	vld.idx.msk [tilespmem:v8+s18+$0x0], $0xffff  }
0x12e: {  	v8 =	vor.u32 $0x8, v5  }
0x12f: {  	v2 =	vadd.f32 v6, v2;
	v6 =	vld.idx.msk [tilespmem:v9+s18+$0x0], $0xffff  }
0x130: {  	v9 =	vor.u32 $0x9, v5  }
0x131: {  	v2 =	vadd.f32 v4, v2;
	v4 =	vld.idx.msk [tilespmem:v7+s18+$0x0], $0xffff  }
0x132: {  	v7 =	vor.u32 $0xA, v5  }
0x133: {  	v2 =	vadd.f32 v3, v2;
	v3 =	vld.idx.msk [tilespmem:v8+s18+$0x0], $0xffff  }
0x134: {  	v8 =	vor.u32 $0xB, v5  }
0x135: {  	v2 =	vadd.f32 v6, v2;
	v6 =	vld.idx.msk [tilespmem:v9+s18+$0x0], $0xffff  }
0x136: {  	v9 =	vor.u32 $0xC, v5  }
0x137: {  	v2 =	vadd.f32 v4, v2;
	v4 =	vld.idx.msk [tilespmem:v7+s18+$0x0], $0xffff  }
0x138: {  	v7 =	vor.u32 $0xD, v5  }
0x139: {  	v2 =	vadd.f32 v3, v2;
	v3 =	vld.idx.msk [tilespmem:v8+s18+$0x0], $0xffff  }
0x13a: {  	v8 =	vor.u32 $0xE, v5  }
0x13b: {  	v2 =	vadd.f32 v6, v2;
	v6 =	vld.idx.msk [tilespmem:v9+s18+$0x0], $0xffff  }
0x13c: {  	v5 =	vor.u32 $0xF, v5  }
0x13d: {  	v2 =	vadd.f32 v4, v2;
	v4 =	vld.idx.msk [tilespmem:v7+s18+$0x0], $0xffff;
	_ =	sdelay $0x1  }
.Ltmp13:
0x13e: {  	v2 =	vadd.f32 v3, v2;
	v3 =	vld.idx.msk [tilespmem:v8+s18+$0x0], $0xffff;
	(pc) =	sbr.rel @p0 .LBB2_21-.Ltmp13, $3  }
0x13f: {  	_ = 	snop  }
0x140: {  	v6 =	vadd.f32 v6, v2;
	v2 =	vld.idx.msk [tilespmem:v5+s18+$0x0], $0xffff;
	_ =	sdelay $0x1  }
0x141: {  	v5 =	vmov s23;
	s23 =	sadd.s32 $0x10, s23;
	v4 =	vadd.f32 v4, v6  }
0x142: {  	v5 =	vshll.u32 v5, $0x4  }
0x143: {  	v5 =	vor.u32 v1, v5;
	v3 =	vadd.f32 v3, v4;
	_ =	sdelay $0x1  }
0x144: {  	v48 =	vor.u32 $0x1, v5;
	v2 =	vadd.f32 v2, v3  }
0x145: {  	s22 =	sadd.s32 $0x10, s22  }
0x146: {  	v3 =	vor.u32 $0x2, v5;
	[tilespmem:s22+$0x0] =	vst v2  }
0x147: {  	v2 =	vld.idx.msk [tilespmem:v5+s18+$0x0], $0xffff  }
0x148: {  	v6 =	vor.u32 $0x3, v5  }
0x149: {  	v4 =	vld.idx.msk [tilespmem:v48+s18+$0x0], $0xffff  }
0x14a: {  	v7 =	vor.u32 $0x4, v5  }
0x14b: {  	v3 =	vld.idx.msk [tilespmem:v3+s18+$0x0], $0xffff  }
0x14c: {  	v8 =	vor.u32 $0x5, v5;
	v2 =	vadd.f32 $0.0e+00, v2  }
0x14d: {  	v6 =	vld.idx.msk [tilespmem:v6+s18+$0x0], $0xffff  }
0x14e: {  	v9 =	vor.u32 $0x6, v5;
	v2 =	vadd.f32 v4, v2  }
0x14f: {  	v49 =	vld.idx.msk [tilespmem:v7+s18+$0x0], $0xffff  }
0x150: {  	v50 =	vor.u32 $0x7, v5;
	v2 =	vadd.f32 v3, v2  }
0x151: {  	v3 =	vld.idx.msk [tilespmem:v8+s18+$0x0], $0xffff  }
0x152: {  	v51 =	vor.u32 $0x8, v5;
	v2 =	vadd.f32 v6, v2  }
0x153: {  	v52 =	vld.idx.msk [tilespmem:v9+s18+$0x0], $0xffff  }
0x154: {  	v53 =	vor.u32 $0x9, v5;
	v2 =	vadd.f32 v49, v2  }
0x155: {  	v54 =	vld.idx.msk [tilespmem:v50+s18+$0x0], $0xffff  }
0x156: {  	v55 =	vor.u32 $0xA, v5;
	v2 =	vadd.f32 v3, v2  }
0x157: {  	v3 =	vld.idx.msk [tilespmem:v51+s18+$0x0], $0xffff  }
0x158: {  	v56 =	vor.u32 $0xB, v5;
	v2 =	vadd.f32 v52, v2  }
0x159: {  	v57 =	vld.idx.msk [tilespmem:v53+s18+$0x0], $0xffff  }
0x15a: {  	v58 =	vor.u32 $0xC, v5;
	v2 =	vadd.f32 v54, v2  }
0x15b: {  	v59 =	vld.idx.msk [tilespmem:v55+s18+$0x0], $0xffff  }
0x15c: {  	v60 =	vor.u32 $0xD, v5;
	v2 =	vadd.f32 v3, v2  }
0x15d: {  	v3 =	vld.idx.msk [tilespmem:v56+s18+$0x0], $0xffff  }
0x15e: {  	v61 =	vor.u32 $0xE, v5;
	v2 =	vadd.f32 v57, v2  }
0x15f: {  	v62 =	vld.idx.msk [tilespmem:v58+s18+$0x0], $0xffff  }
0x160: {  	v5 =	vor.u32 $0xF, v5;
	v2 =	vadd.f32 v59, v2  }
0x161: {  	v63 =	vld.idx.msk [tilespmem:v60+s18+$0x0], $0xffff  }
0x162: {  	v2 =	vadd.f32 v3, v2  }
0x163: {  	v3 =	vld.idx.msk [tilespmem:v61+s18+$0x0], $0xffff  }
0x164: {  	v2 =	vadd.f32 v62, v2  }
0x165: {  	v5 =	vld.idx.msk [tilespmem:v5+s18+$0x0], $0xffff  }
0x166: {  	v2 =	vadd.f32 v63, v2;
	_ =	sdelay $0x1  }
0x167: {  	v2 =	vadd.f32 v3, v2;
	_ =	sdelay $0x1  }
0x168: {  	s21 =	sadd.s32 $0x1, s21;
	v2 =	vadd.f32 v5, v2  }
0x169: {  	p0 =	sne.s32 s21, s9;
	s22 =	sadd.s32 $0x10, s22  }
.Ltmp14:
0x16a: {  	[tilespmem:s22+$0x0] =	vst v2;
	(pc) =	sbr.rel @p0 .LBB2_1-.Ltmp14, $4  }
0x16b: {  	[hbm4b:s8+s2] =	stream.linear.scatter [tilespmem:s19], [sflag:$0x3], $0x80, $0x38;
	[tilespmem:$0x3470] =	vst v63  }
0x16c: {  	_ =	swait.ge [sflag:s10], $0x80  }
0x16d: {  	[sflag:s10] =	ssyncset.done $0x0  }
0x16e: {  	[sflag:s10] =	ssyncadd.s32 $0xFFFFFF80  }
0x16f: {  	_ =	sfence.sel $0x180000  }
0x170: {  	[bflag:$0x0] =	sbarrier.arrive $0xFFFF  }
0x171: {  	p0 =	sne.s32 s1, $0x0;
	_ =	strace $0x90000047  }
0x172: {  	s0 =	sadd.s32 @!p0 $0x100000, s0;
	[bflag:$0x2] =	sbarrier.arrive $0xFFFF  }
0x173: {  	[sflag:s0] =	ssyncadd.tile.s32 @!p0 $0x1;
	_ =	shalt  }
.Lfunc_end2:
_tile_overlayer_lowered:
.L_overlay_start_2:
0x174: {  	(tag) =	ssettag $0x2  }
0x175: {  	s0 =	rddreg [dreg:$0x0];
	s2 =	stileid.u32  }
0x176: {  	s1 =	rddreg [dreg:$0x1];
	p0 =	sne.s32 s2, $0x0  }
0x177: {  	s3 =	rddreg [dreg:$0x2];
	[bflag:$0x3] =	sbarrier.arrive $0xFFFF;
	s2 =	simm.s32 @!p0 $0x1C03  }
0x178: {  	[timem:s3], [sflag:s2] =	dma.local @!p0 [hbm:s0], s1  }
0x179: {  	s0 =	simm.s32 @!p0 $0x3  }
0x17a: {  	_ =	swait.ge @!p0 [sflag:s0], s1  }
0x17b: {  	s1 =	ssub.s32 @!p0 $0x0, s1;
	[sflag:s0] =	ssyncset.done @!p0 $0x0  }
0x17c: {  	[sflag:s0] =	ssyncadd.s32 @!p0 s1  }
0x17d: {  	[bflag:$0x3] =	sbarrier.arrive $0xFFFF  }
0x17e: {  	_ =	shalt  }

// kernel: kernel.8.cloned.1.call-start
scs
__scs_entry_jumppad:
0x0: {  	(pc) =	sbr.rel $0x88, $3  }
0x1: {  	(tag) =	ssettag $0x0;
	lr =	simm.s32 $0x1  }
0x2: {  	[smem:$0x3F99] =	sst lr;
	_ =	strace $0xD0000000  }
0x3: {  	_ = 	snop  }
0x4: {  	_ = 	snop  }
0x5: {  	_ = 	snop  }
0x6: {  	_ = 	snop  }
0x7: {  	_ = 	snop  }
__scs_overlays_trampoline_lowered:
0x8: {  	[smem:$0x3FA8] =	sst s0  }
0x9: {  	[smem:$0x3FA9] =	sst s1  }
0xa: {  	[smem:$0x3FAA] =	sst s2  }
0xb: {  	[smem:$0x3FAB] =	sst s3  }
0xc: {  	[smem:$0x3FAC] =	sst s4  }
0xd: {  	[smem:$0x3FAD] =	sst s5  }
0xe: {  	[smem:$0x3FAE] =	sst s6  }
0xf: {  	[smem:$0x3FAF] =	sst s7  }
0x10: {  	[smem:$0x3FB0] =	sst s8  }
0x11: {  	[smem:$0x3FB1] =	sst s9;
	s0 =	simm.s32 @!p0 $0x0  }
0x12: {  	s1 =	sld [smem:$0x3F97];
	s0 =	simm.s32 @p0 $0x1  }
0x13: {  	[smem:$0x3FB2] =	sst s0;
	s0 =	simm.s32 @!p1 $0x0  }
0x14: {  	s2 =	sld [smem:$0x3F96];
	s0 =	simm.s32 @p1 $0x1  }
0x15: {  	[smem:$0x3FB3] =	sst s0;
	s0 =	simm.s32 @!p2 $0x0  }
0x16: {  	s3 =	sld [smem:$0x3FDB];
	s0 =	simm.s32 @p2 $0x1  }
0x17: {  	s4 =	simm.s32 $0x1BF5;
	[smem:$0x3FB5] =	sst s0  }
0x18: {  	s0 =	sld [smem:$0x3F98];
	_ =	swait.ge [sflag:s4], $0x0  }
0x19: {  	s7 =	sld [smem:$0x3F99]  }
0x1a: {  	s8 =	sadd.s32 $0xFFFFE003, lr  }
0x1b: {  	s9 =	sadd.s32 $0xFFFFFEF7, lr;
	s5 =	simm.s32 $0xFFFFFFFF;
	p2 =	slt.u32 s8, $0xFFFFF086  }
0x1c: {  	p1 =	slt.u32 s9, $0xF7A;
	s5 =	simm.s32 @!p2 $0x0  }
0x1d: {  	s5 =	simm.s32 @p1 $0x1;
	p0 =	seq.s32 s7, s2  }
0x1e: {  	s7 =	smul.u32 @!p0 $0xF7A, s2;
	p2 =	seq.s32 @!p0 s5, $0x0  }
0x1f: {  	s9 =	smul.u32 $0xF7A, s1;
	s8 =	simm.s32 @!p0 $0x1BF5;
	p2 =	por !p2, p0  }
0x20: {  	[sflag:s8] =	ssyncset.s32 @!p0 $0xFFFFF086;
	s6 =	sadd.s32 @!p0 s3, s7;
	s7 =	simm.s32 @!p0 $0x108  }
0x21: {  	s3 =	sadd.s32 s3, s9;
	s6 =	sadd.s32 @!p0 $0x88, s6;
	s7 =	simm.s32 @p2 $0x1082  }
0x22: {  	[simem:s7], [sflag:s8] =	dma.local @!p0 [hbm:s6], $0xF7A  }
0x23: {  	s9 =	sor.u32 $0xD0000000, s2;
	s6 =	simm.s32 $0x108;
	_ =	swait.ge @!p0 [sflag:s8], $0x0  }
0x24: {  	s3 =	sadd.s32 $0x88, s3;
	s6 =	simm.s32 @!p1 $0x1082;
	[sflag:s4] =	ssyncset.s32 $0xFFFFF086  }
0x25: {  	[simem:s6], [sflag:s4] =	dma.local [hbm:s3], $0xF7A  }
0x26: {  	[smem:$0x3F99] =	sst s1;
	(tag) =	ssettag s2;
	_ =	strace s9  }
0x27: {  	s1 =	sld [smem:$0x3FA9]  }
0x28: {  	s2 =	sld [smem:$0x3FAA]  }
0x29: {  	s4 =	sld [smem:$0x3FAC]  }
0x2a: {  	p0 =	seq.s32 s5, $0x0;
	s5 =	sld [smem:$0x3FAD]  }
0x2b: {  	s6 =	sld [smem:$0x3FAE]  }
0x2c: {  	s7 =	sld [smem:$0x3FAF]  }
0x2d: {  	s3 =	simm.s32 $0x108;
	s8 =	sld [smem:$0x3FB0]  }
0x2e: {  	s3 =	simm.s32 @!p0 $0x1082;
	s9 =	sld [smem:$0x3FB1]  }
0x2f: {  	lr =	sadd.s32 s0, s3;
	s0 =	sld [smem:$0x3FA8]  }
0x30: {  	s3 =	sld [smem:$0x3FAB]  }
0x31: {  	[smem:$0x3FB4] =	sst s10  }
0x32: {  	s10 =	sld [smem:$0x3FB2];
	_ =	sdelay $0x3  }
0x33: {  	p0 =	seq.s32 s10, $0x1;
	s10 =	sld [smem:$0x3FB4];
	_ =	sdelay $0x3  }
0x34: {  	[smem:$0x3FB4] =	sst s10  }
0x35: {  	s10 =	sld [smem:$0x3FB3];
	_ =	sdelay $0x3  }
0x36: {  	p1 =	seq.s32 s10, $0x1;
	s10 =	sld [smem:$0x3FB4];
	_ =	sdelay $0x3  }
0x37: {  	[smem:$0x3FB4] =	sst s10  }
0x38: {  	s10 =	sld [smem:$0x3FB5]  }
0x39: {  	_ = 	snop;
	(pc) =	sbr.ind lr, $3  }
0x3a: {  	_ = 	snop  }
0x3b: {  	_ = 	snop  }
0x3c: {  	p2 =	seq.s32 s10, $0x1;
	s10 =	sld [smem:$0x3FB4]  }
0x3d: {  	_ =	shalt  }
0x3e: {  	_ =	shalt  }
0x3f: {  	_ =	shalt  }
0x40: {  	_ =	shalt  }
0x41: {  	_ =	shalt  }
0x42: {  	_ =	shalt  }
0x43: {  	_ =	shalt  }
0x44: {  	_ =	shalt  }
0x45: {  	_ =	shalt  }
0x46: {  	_ =	shalt  }
0x47: {  	_ =	shalt  }
0x48: {  	_ =	shalt  }
0x49: {  	_ =	shalt  }
0x4a: {  	_ =	shalt  }
0x4b: {  	_ =	shalt  }
0x4c: {  	_ =	shalt  }
0x4d: {  	_ =	shalt  }
0x4e: {  	_ =	shalt  }
0x4f: {  	_ =	shalt  }
0x50: {  	_ =	shalt  }
0x51: {  	_ =	shalt  }
0x52: {  	_ =	shalt  }
0x53: {  	_ =	shalt  }
0x54: {  	_ =	shalt  }
0x55: {  	_ =	shalt  }
0x56: {  	_ =	shalt  }
0x57: {  	_ =	shalt  }
0x58: {  	_ =	shalt  }
0x59: {  	_ =	shalt  }
0x5a: {  	_ =	shalt  }
0x5b: {  	_ =	shalt  }
0x5c: {  	_ =	shalt  }
0x5d: {  	_ =	shalt  }
0x5e: {  	_ =	shalt  }
0x5f: {  	_ =	shalt  }
0x60: {  	_ =	shalt  }
0x61: {  	_ =	shalt  }
0x62: {  	_ =	shalt  }
0x63: {  	_ =	shalt  }
0x64: {  	_ =	shalt  }
0x65: {  	_ =	shalt  }
0x66: {  	_ =	shalt  }
0x67: {  	_ =	shalt  }
0x68: {  	_ =	shalt  }
0x69: {  	_ =	shalt  }
0x6a: {  	_ =	shalt  }
0x6b: {  	_ =	shalt  }
0x6c: {  	_ =	shalt  }
0x6d: {  	_ =	shalt  }
0x6e: {  	_ =	shalt  }
0x6f: {  	_ =	shalt  }
0x70: {  	_ =	shalt  }
0x71: {  	_ =	shalt  }
0x72: {  	_ =	shalt  }
0x73: {  	_ =	shalt  }
0x74: {  	_ =	shalt  }
0x75: {  	_ =	shalt  }
0x76: {  	_ =	shalt  }
0x77: {  	_ =	shalt  }
0x78: {  	_ =	shalt  }
0x79: {  	_ =	shalt  }
0x7a: {  	_ =	shalt  }
0x7b: {  	_ =	shalt  }
0x7c: {  	_ =	shalt  }
0x7d: {  	_ =	shalt  }
0x7e: {  	_ =	shalt  }
0x7f: {  	_ =	shalt  }
0x80: {  	_ =	shalt  }
0x81: {  	_ =	shalt  }
0x82: {  	_ =	shalt  }
0x83: {  	_ =	shalt  }
0x84: {  	_ =	shalt  }
0x85: {  	_ =	shalt  }
0x86: {  	_ =	shalt  }
0x87: {  	_ =	shalt  }
.Lfunc_end0:
.L_simem_size_0:
called_computation.1_lowered:
.L_overlay_start_0:
0x88: {  	s2 =	sld [smem:$0x3FD9]  }
0x89: {  	s3 =	sld [smem:$0x3FFE];
	_ =	sdelay $0x1  }
0x8a: {  	s1 =	srdreg.scid  }
0x8b: {  	s0 =	sand.u32 $0x1, s1  }
0x8c: {  	s17 =	sshll.u32 s0, $0xA;
	s2 =	sadd.s32 s3, s2  }
0x8d: {  	s2 =	sadd.s32 s2, s17  }
0x8e: {  	[smem:$0x3FC0] =	sst s2  }
0x8f: {  	_ = 	snop  }
0x90: {  	s18 =	sld [smem:$0x3FD0];
	(tm) =	ssettm $0x1  }
0x91: {  	s19 =	sld [smem:$0x3FFB];
	_ =	sdelay $0x3  }
0x92: {  	_ =	strace s19  }
0x93: {  	s2 =	sld [smem:$0x3FFC];
	_ =	sdelay $0x3  }
0x94: {  	_ =	strace s2  }
0x95: {  	s2 =	sld [smem:$0x3FFD];
	_ =	sdelay $0x3  }
0x96: {  	_ =	strace s2  }
0x97: {  	_ =	strace $0x8FFFFFFF  }
0x98: {  	s20 =	sld [smem:$0x3FDB];
	_ =	sdelay $0x1  }
0x99: {  	s4 =	simm.s32 $_scs_section_size  }
0x9a: {  	s5 =	simm.s32 $_size__tile_overlayer_lowered;
	s6 =	simm.s32 $_tile_overlayer_lowered  }
0x9b: {  	s7 =	simm.s32 $0x1BFF;
	s21 =	sshll.u32 s6, $0x1;
	s4 =	sadd.s32 s4, s20  }
0x9c: {  	s22 =	simm.s32 $0x0;
	s5 =	sshll.u32 s5, $0x1;
	s6 =	sadd.s32 s21, s4  }
0x9d: {  	[timem:s22], [sflag:s7] =	dma.local [hbm:s6], s5  }
0x9e: {  	_ =	swait.ge [sflag:s7], s5  }
0x9f: {  	s5 =	ssub.s32 $0x0, s5;
	[sflag:s7] =	ssyncset.done $0x0  }
0xa0: {  	[sflag:s7] =	ssyncadd.s32 s5;
	_ =	sdelay $0x1  }
0xa1: {  	s23 =	simm.s32 $0x1B8B  }
0xa2: {  	_ =	swait.ge [sflag:s23], $0x1  }
0xa3: {  	[sflag:s23] =	ssyncset.done $0x0  }
0xa4: {  	[sflag:s23] =	ssyncadd.s32 $0xFFFFFFFF  }
0xa5: {  	s5 =	sld [smem:$0x0]  }
0xa6: {  	s6 =	sand.u32 $0xFFFFFFFE, s1  }
0xa7: {  	p0 =	sne.s32 s1, s6  }
0xa8: {  	s6 =	sshll.u32 @p0 s6, $0xE  }
0xa9: {  	s6 =	sadd.s32 @p0 $0x11B8D, s6;
	s7 =	sshll.u32 @p0 s5, $0x11  }
0xaa: {  	s6 =	sor.u32 @p0 s7, s6  }
0xab: {  	[sflag:s6] =	ssyncadd.remote.s32 @p0 $0x1;
	_ =	sdelay $0x1  }
0xac: {  	s6 =	simm.s32 @p0 $0x1B8D  }
0xad: {  	_ =	swait.eq @p0 [sflag:s6], $0x1  }
0xae: {  	[sflag:s6] =	ssyncadd.s32 @p0 $0xFFFFFFFF  }
0xaf: {  	s7 =	sshll.u32 @!p0 s1, $0xE  }
0xb0: {  	s7 =	sor.u32 @!p0 $0x4000, s7;
	s6 =	simm.s32 @!p0 $0x1B8D  }
0xb1: {  	s5 =	sshll.u32 @!p0 s5, $0x11;
	s7 =	sadd.s32 @!p0 $0x11B8D, s7;
	_ =	swait.eq @!p0 [sflag:s6], $0x1  }
0xb2: {  	s5 =	sor.u32 @!p0 s5, s7;
	[sflag:s6] =	ssyncadd.s32 @!p0 $0xFFFFFFFF  }
0xb3: {  	s25 =	simm.s32 $0x1B8E;
	s24 =	sld [smem:$0x3FFE];
	[sflag:s5] =	ssyncadd.remote.s32 @!p0 $0x1  }
0xb4: {  	s26 =	simm.s32 $execute0_lowered;
	[smem:$0x3FD2] =	sst s25  }
0xb5: {  	s6 =	sshll.u32 s26, $0x1;
	_ =	strace $0x80000049;
	[dreg:$0x1] =	wrdreg $0xFFFFFFFF  }
0xb6: {  	s28 =	simm.s32 $_size_execute0_lowered;
	s4 =	sadd.s32 s4, s6;
	[dreg:$0x0] =	wrdreg $0x0  }
0xb7: {  	s6 =	sshll.u32 s28, $0x1;
	[dreg:$0x2] =	wrdreg s4  }
0xb8: {  	[dreg:$0x3] =	wrdreg s6  }
0xb9: {  	[dreg:$0x4] =	wrdreg $0xC0  }
0xba: {  	_ =	task [dreg:s22], $0x5FFFF  }
0xbb: {  	[dreg:$0x1] =	wrdreg $0xFFFFFFFF  }
0xbc: {  	[dreg:$0x0] =	wrdreg $0x60  }
0xbd: {  	[dreg:$0x2] =	wrdreg s24  }
0xbe: {  	[dreg:$0x3] =	wrdreg s18  }
0xbf: {  	[dreg:$0x4] =	wrdreg $0xA  }
0xc0: {  	_ =	task.clear_ibuf [dreg:s22], $0x5FFFF;
	_ =	strace $0x90000049  }
0xc1: {  	s29 =	simm.s32 $0xA;
	_ =	strace $0x8000004B  }
0xc2: {  	_ =	swait.ge [sflag:s29], $0x1  }
0xc3: {  	[sflag:s29] =	ssyncadd.s32 $0xFFFFFFFF  }
0xc4: {  	_ =	strace $0x9000004B  }
0xc5: {  	_ =	sfence  }
0xc6: {  	s30 =	sld [smem:$0x0];
	_ =	sdelay $0x2  }
0xc7: {  	s31 =	sshll.u32 s1, $0xD;
	s1 =	sshrl.u32 s1, $0x2  }
0xc8: {  	s4 =	sand.u32 $0x4000, s31;
	s1 =	sadd.s32 s1, s30  }
0xc9: {  	s0 =	sor.u32 s4, s0;
	s1 =	sshll.u32 s1, $0x11  }
0xca: {  	s0 =	sor.u32 s1, s0  }
0xcb: {  	s0 =	sadd.s32 $0x8F2B, s0  }
0xcc: {  	[sflag:s0] =	ssyncadd.remote.s32 $0x1  }
0xcd: {  	_ =	sfence.sel $0xFFFF  }
0xce: {  	[dreg:$0x0] =	wrdreg $0xFFFFFFFF;
	(pc) =	sbr.abs _section_cstart, $3  }
0xcf: {  	[dreg:$0x1] =	wrdreg $0xFFFFFFFF  }
0xd0: {  	_ =	task.clear_ibuf [dreg:s22], $0x2FFFF;
	_ =	strace $0x9FFFFFFF  }
0xd1: {  	(tm) =	ssettm $0x7FFFFFFF  }
tec
execute0_lowered:
.L_overlay_start_1:
0x0: {  	(tag) =	ssettag $0x1  }
0x1: {  	s6 =	rddreg [dreg:$0x0]  }
0x2: {  	s7 =	rddreg [dreg:$0x1]  }
0x3: {  	s0 =	rddreg [dreg:$0x2];
	s2 =	simm.s32 $0x0;
	s3 =	srdreg.scid  }
0x4: {  	s1 =	stileid.u32;
	s11 =	simm.s32 $0x80;
	s12 =	simm.s32 $0x2F0  }
0x5: {  	s13 =	simm.s32 $0x1;
	s14 =	simm.s32 $0xAF0;
	s15 =	simm.s32 $0x12F0  }
0x6: {  	s16 =	simm.s32 $0x0;
	[smem:$0x7FF] =	sst s2;
	s4 =	sand.u32 $0x1, s3  }
0x7: {  	s5 =	sshll.u32 s1, $0x8;
	s3 =	sadd.s32 $0x2CFE00, s6;
	s8 =	sshll.u32 s4, $0x7  }
0x8: {  	_ =	strace $0x8000004A;
	s9 =	ssub.s32 $0x2, s4;
	s4 =	sor.u32 s8, s5  }
0x9: {  	s5 =	sadd.s32 $0x55000, s6;
	s31 =	sshrl.u32 s9, $0x1;
	s6 =	sadd.s32 $0x1C00, s6  }
0xa: {  	v1 =	vlaneseq.u32;
	s10 =	sshrl.u32 s4, $0x3;
	s8 =	ssub.s32 s9, s31;
	s9 =	simm.s32 $0x2  }
0xb: {  	v0 =	vimm.f32 $0.0e+00;
	v1 =	vmul.u32 $0x10, v1;
	s7 =	sadd.s32 s7, s10;
	s8 =	smax.u32 s8, $0x1;
	s10 =	simm.s32 $0x270  }
.LBB2_1:
0xc: {  	[tilespmem:s2], [sflag:$0x2] =	stream.linear.gather [hbm4b:s6+s2], $0x270, $0x38;
	[tilespmem:$0x1370] =	vst v63  }
0xd: {  	_ =	swait.ge [sflag:s9], $0x270  }
0xe: {  	[sflag:s9] =	ssyncset.done $0x0  }
0xf: {  	s17 =	simm.s32 $0x40;
	s18 =	simm.s32 $0x0;
	[sflag:s9] =	ssyncadd.s32 $0xFFFFFD90  }
.LBB2_2:
0x10: {  	p0 =	sne.s32 s17, $0x1FC0;
	[tilespmem:s18+$0xAF0] =	vst v0;
	s18 =	smov.u32 s17;
	s17 =	sadd.s32 $0x40, s17  }
.Ltmp0:
0x11: {  	(pc) =	sbr.rel @p0 .LBB2_2-.Ltmp0, $2  }
0x12: {  	_ =	sdelay $0x2  }
0x13: {  	s18 =	sshra.s32 s18, $0x2  }
0x14: {  	[tilespmem:s18+$0xAF0] =	vst v0;
	s17 =	simm.s32 $0x0;
	s18 =	simm.s32 $0x0  }
.LBB2_4:
0x15: {  	s19 =	sshll.u32 s18, $0xC  }
0x16: {  	s19 =	sor.u32 s4, s19  }
0x17: {  	s19 =	sshrl.u32 s19, $0x3  }
0x18: {  	s19 =	sadd.s32 s3, s19  }
0x19: {  	[tilespmem:s10], [sflag:$0x2] =	stream.linear.gather [hbm4b:s19+s17], $0x80, $0x38;
	[tilespmem:$0x1370] =	vst v63  }
0x1a: {  	_ =	swait.ge [sflag:s9], $0x80  }
0x1b: {  	[sflag:s9] =	ssyncset.done $0x0  }
0x1c: {  	[sflag:s9] =	ssyncadd.s32 $0xFFFFFF80  }
0x1d: {  	v2 =	vld [tilespmem:$0x270]  }
0x1e: {  	v3 =	vld [tilespmem:$0x280]  }
0x1f: {  	v4 =	vld [tilespmem:$0x290]  }
0x20: {  	s30 =	smul.u32 $0x186A0, s18;
	v5 =	vld [tilespmem:$0x2A0]  }
0x21: {  	v6 =	vld [tilespmem:$0x2B0]  }
0x22: {  	v7 =	vld [tilespmem:$0x2C0];
	v2 =	vadd.s32 s30, v2  }
0x23: {  	[tilespmem:$0x270] =	vst v2;
	v2 =	vadd.s32 s30, v3;
	v3 =	vld [tilespmem:$0x2D0]  }
0x24: {  	v63 =	vld [tilespmem:$0x2E0];
	[tilespmem:$0x280] =	vst v2;
	v2 =	vadd.s32 s30, v4  }
0x25: {  	[tilespmem:$0x290] =	vst v2;
	v2 =	vadd.s32 s30, v5  }
0x26: {  	[tilespmem:$0x2A0] =	vst v2;
	v2 =	vadd.s32 s30, v6  }
0x27: {  	[tilespmem:$0x2B0] =	vst v2;
	v2 =	vadd.s32 s30, v7  }
0x28: {  	[tilespmem:$0x2C0] =	vst v2;
	v2 =	vadd.s32 s30, v3  }
0x29: {  	[tilespmem:$0x2D0] =	vst v2;
	v2 =	vadd.s32 s30, v63  }
0x2a: {  	[tilespmem:$0x2E0] =	vst v2  }
0x2b: {  	[tilespmem:s12], [sflag:$0x1] =	stream.indirect.gather [hbm4b:s5+s11], $0x10, s10, s11, $0xb8;
	[tilespmem:$0x1370] =	vst v63  }
0x2c: {  	_ =	swait.ge [sflag:s13], $0x800  }
0x2d: {  	s31 =	sshll.u32 s18, $0x4;
	[sflag:s13] =	ssyncset.done $0x0  }
0x2e: {  	s19 =	sand.u32 $0x3FFFFFF0, s31;
	[sflag:s13] =	ssyncadd.s32 $0xFFFFF800  }
0x2f: {  	s20 =	simm.s32 $0x200;
	v2 =	vld [tilespmem:s19+$0x1A0];
	s19 =	simm.s32 $0x0  }
.LBB2_5:
0x30: {  	p0 =	sne.s32 s20, $0x1E00;
	v3 =	vld [tilespmem:s19+$0x360]  }
0x31: {  	v4 =	vld [tilespmem:s19+$0x2F0]  }
0x32: {  	v5 =	vld [tilespmem:s19+$0x300]  }
0x33: {  	v6 =	vld [tilespmem:s19+$0x310]  }
0x34: {  	v7 =	vld [tilespmem:s19+$0x320]  }
0x35: {  	v8 =	vld [tilespmem:s19+$0x330];
	v3 =	vmul.f32 v3, v2  }
0x36: {  	v4 =	vmul.f32 v4, v2;
	v9 =	vld [tilespmem:s19+$0x340]  }
0x37: {  	v5 =	vmul.f32 v5, v2;
	[tilespmem:s19+$0xB60] =	vst.add.f32.msk $0xffff, v3  }
0x38: {  	v3 =	vmul.f32 v6, v2;
	v6 =	vld [tilespmem:s19+$0x350]  }
0x39: {  	[tilespmem:s19+$0xAF0] =	vst.add.f32.msk $0xffff, v4;
	v4 =	vmul.f32 v7, v2  }
0x3a: {  	[tilespmem:s19+$0xB00] =	vst.add.f32.msk $0xffff, v5;
	v5 =	vmul.f32 v8, v2  }
.Ltmp1:
0x3b: {  	[tilespmem:s19+$0xB10] =	vst.add.f32.msk $0xffff, v3;
	v3 =	vmul.f32 v9, v2;
	(pc) =	sbr.rel @p0 .LBB2_5-.Ltmp1, $4  }
0x3c: {  	[tilespmem:s19+$0xB20] =	vst.add.f32.msk $0xffff, v4  }
0x3d: {  	[tilespmem:s19+$0xB30] =	vst.add.f32.msk $0xffff, v5;
	v4 =	vmul.f32 v6, v2  }
0x3e: {  	[tilespmem:s19+$0xB40] =	vst.add.f32.msk $0xffff, v3  }
0x3f: {  	[tilespmem:s19+$0xB50] =	vst.add.f32.msk $0xffff, v4;
	s19 =	sshra.s32 s20, $0x2;
	s20 =	sadd.s32 $0x200, s20  }
0x40: {  	v3 =	vld [tilespmem:s19+$0x360]  }
0x41: {  	v4 =	vld [tilespmem:s19+$0x2F0]  }
0x42: {  	v5 =	vld [tilespmem:s19+$0x300]  }
0x43: {  	v6 =	vld [tilespmem:s19+$0x310]  }
0x44: {  	v7 =	vld [tilespmem:s19+$0x320]  }
0x45: {  	v8 =	vld [tilespmem:s19+$0x330]  }
0x46: {  	v9 =	vld [tilespmem:s19+$0x340];
	v3 =	vmul.f32 v3, v2  }
0x47: {  	v61 =	vld [tilespmem:s19+$0x350];
	v4 =	vmul.f32 v4, v2  }
0x48: {  	v6 =	vmul.f32 v6, v2;
	[tilespmem:s19+$0xB60] =	vst.add.f32.msk $0xffff, v3  }
0x49: {  	s18 =	sadd.s32 $0x1, s18;
	v62 =	vmul.f32 v7, v2;
	[tilespmem:s19+$0xAF0] =	vst.add.f32.msk $0xffff, v4  }
0x4a: {  	p0 =	sne.s32 s18, $0xD;
	v3 =	vmul.f32 v5, v2;
	[tilespmem:s19+$0xB10] =	vst.add.f32.msk $0xffff, v6  }
.Ltmp2:
0x4b: {  	v63 =	vmul.f32 v9, v2;
	[tilespmem:s19+$0xB20] =	vst.add.f32.msk $0xffff, v62;
	(pc) =	sbr.rel @p0 .LBB2_4-.Ltmp2, $4  }
0x4c: {  	[tilespmem:s19+$0xB00] =	vst.add.f32.msk $0xffff, v3;
	v3 =	vmul.f32 v8, v2  }
0x4d: {  	[tilespmem:s19+$0xB40] =	vst.add.f32.msk $0xffff, v63;
	v2 =	vmul.f32 v61, v2  }
0x4e: {  	[tilespmem:s19+$0xB30] =	vst.add.f32.msk $0xffff, v3  }
0x4f: {  	[tilespmem:s19+$0xB50] =	vst.add.f32.msk $0xffff, v2  }
0x50: {  	s17 =	simm.s32 $0x0  }
0x51: {  	v2 =	vmov s17  }
0x52: {  	v2 =	vshll.u32 v2, $0x4  }
0x53: {  	v2 =	vor.u32 v1, v2;
	_ =	sdelay $0x1  }
0x54: {  	v3 =	vor.u32 $0x1, v2;
	_ =	sdelay $0x1  }
0x55: {  	v4 =	vor.u32 $0x2, v2  }
0x56: {  	v5 =	vld.idx.msk [tilespmem:v2+s14+$0x0], $0xffff  }
0x57: {  	v6 =	vor.u32 $0x3, v2  }
0x58: {  	v3 =	vld.idx.msk [tilespmem:v3+s14+$0x0], $0xffff  }
0x59: {  	v7 =	vor.u32 $0x4, v2  }
0x5a: {  	v4 =	vld.idx.msk [tilespmem:v4+s14+$0x0], $0xffff  }
0x5b: {  	v8 =	vor.u32 $0x5, v2;
	v5 =	vadd.f32 $0.0e+00, v5  }
0x5c: {  	v6 =	vld.idx.msk [tilespmem:v6+s14+$0x0], $0xffff  }
0x5d: {  	v9 =	vor.u32 $0x6, v2;
	v3 =	vadd.f32 v3, v5  }
0x5e: {  	v5 =	vld.idx.msk [tilespmem:v7+s14+$0x0], $0xffff  }
0x5f: {  	v7 =	vor.u32 $0x7, v2;
	v3 =	vadd.f32 v4, v3  }
0x60: {  	v4 =	vld.idx.msk [tilespmem:v8+s14+$0x0], $0xffff  }
0x61: {  	v52 =	vor.u32 $0x8, v2;
	v3 =	vadd.f32 v6, v3  }
0x62: {  	v6 =	vld.idx.msk [tilespmem:v9+s14+$0x0], $0xffff  }
0x63: {  	v53 =	vor.u32 $0x9, v2;
	v3 =	vadd.f32 v5, v3  }
0x64: {  	v5 =	vld.idx.msk [tilespmem:v7+s14+$0x0], $0xffff  }
0x65: {  	v7 =	vor.u32 $0xA, v2;
	v3 =	vadd.f32 v4, v3  }
0x66: {  	v4 =	vld.idx.msk [tilespmem:v52+s14+$0x0], $0xffff  }
0x67: {  	v54 =	vor.u32 $0xB, v2;
	v3 =	vadd.f32 v6, v3  }
0x68: {  	v6 =	vld.idx.msk [tilespmem:v53+s14+$0x0], $0xffff  }
0x69: {  	v55 =	vor.u32 $0xC, v2;
	v3 =	vadd.f32 v5, v3  }
0x6a: {  	v5 =	vld.idx.msk [tilespmem:v7+s14+$0x0], $0xffff  }
0x6b: {  	v7 =	vor.u32 $0xD, v2;
	v3 =	vadd.f32 v4, v3  }
0x6c: {  	v4 =	vld.idx.msk [tilespmem:v54+s14+$0x0], $0xffff  }
0x6d: {  	v56 =	vor.u32 $0xE, v2;
	v3 =	vadd.f32 v6, v3  }
0x6e: {  	v6 =	vld.idx.msk [tilespmem:v55+s14+$0x0], $0xffff  }
0x6f: {  	v2 =	vor.u32 $0xF, v2;
	v3 =	vadd.f32 v5, v3  }
0x70: {  	v5 =	vld.idx.msk [tilespmem:v7+s14+$0x0], $0xffff  }
0x71: {  	v3 =	vadd.f32 v4, v3  }
0x72: {  	v4 =	vld.idx.msk [tilespmem:v56+s14+$0x0], $0xffff  }
0x73: {  	v3 =	vadd.f32 v6, v3  }
0x74: {  	s31 =	simm.s32 $0x10;
	v2 =	vld.idx.msk [tilespmem:v2+s14+$0x0], $0xffff  }
0x75: {  	v6 =	vmov s31;
	v3 =	vadd.f32 v5, v3  }
0x76: {  	v5 =	vshll.u32 v6, $0x4  }
0x77: {  	v5 =	vor.u32 v1, v5;
	v3 =	vadd.f32 v4, v3;
	_ =	sdelay $0x1  }
0x78: {  	v4 =	vor.u32 $0x1, v5;
	v2 =	vadd.f32 v2, v3  }
0x79: {  	s17 =	simm.s32 $0x12F0  }
0x7a: {  	v3 =	vor.u32 $0x2, v5;
	[tilespmem:s17+$0x0] =	vst v2  }
0x7b: {  	v2 =	vld.idx.msk [tilespmem:v5+s14+$0x0], $0xffff  }
0x7c: {  	v6 =	vor.u32 $0x3, v5  }
0x7d: {  	v4 =	vld.idx.msk [tilespmem:v4+s14+$0x0], $0xffff  }
0x7e: {  	v7 =	vor.u32 $0x4, v5  }
0x7f: {  	v3 =	vld.idx.msk [tilespmem:v3+s14+$0x0], $0xffff  }
0x80: {  	v57 =	vor.u32 $0x5, v5;
	v2 =	vadd.f32 $0.0e+00, v2  }
0x81: {  	v6 =	vld.idx.msk [tilespmem:v6+s14+$0x0], $0xffff  }
0x82: {  	v58 =	vor.u32 $0x6, v5;
	v2 =	vadd.f32 v4, v2  }
0x83: {  	v4 =	vld.idx.msk [tilespmem:v7+s14+$0x0], $0xffff  }
0x84: {  	v7 =	vor.u32 $0x7, v5;
	v2 =	vadd.f32 v3, v2  }
0x85: {  	v3 =	vld.idx.msk [tilespmem:v57+s14+$0x0], $0xffff  }
0x86: {  	v59 =	vor.u32 $0x8, v5;
	v2 =	vadd.f32 v6, v2  }
0x87: {  	v6 =	vld.idx.msk [tilespmem:v58+s14+$0x0], $0xffff  }
0x88: {  	v60 =	vor.u32 $0x9, v5;
	v2 =	vadd.f32 v4, v2  }
0x89: {  	v4 =	vld.idx.msk [tilespmem:v7+s14+$0x0], $0xffff  }
0x8a: {  	v7 =	vor.u32 $0xA, v5;
	v2 =	vadd.f32 v3, v2  }
0x8b: {  	v3 =	vld.idx.msk [tilespmem:v59+s14+$0x0], $0xffff  }
0x8c: {  	v61 =	vor.u32 $0xB, v5;
	v2 =	vadd.f32 v6, v2  }
0x8d: {  	v6 =	vld.idx.msk [tilespmem:v60+s14+$0x0], $0xffff  }
0x8e: {  	v62 =	vor.u32 $0xC, v5;
	v2 =	vadd.f32 v4, v2  }
0x8f: {  	v4 =	vld.idx.msk [tilespmem:v7+s14+$0x0], $0xffff  }
0x90: {  	v7 =	vor.u32 $0xD, v5;
	v2 =	vadd.f32 v3, v2  }
0x91: {  	v3 =	vld.idx.msk [tilespmem:v61+s14+$0x0], $0xffff  }
0x92: {  	v63 =	vor.u32 $0xE, v5;
	v2 =	vadd.f32 v6, v2  }
0x93: {  	v6 =	vld.idx.msk [tilespmem:v62+s14+$0x0], $0xffff  }
0x94: {  	v2 =	vadd.f32 v4, v2;
	v4 =	vor.u32 $0xF, v5  }
0x95: {  	v7 =	vld.idx.msk [tilespmem:v7+s14+$0x0], $0xffff  }
0x96: {  	v2 =	vadd.f32 v3, v2  }
0x97: {  	v3 =	vld.idx.msk [tilespmem:v63+s14+$0x0], $0xffff  }
0x98: {  	v6 =	vadd.f32 v6, v2  }
0x99: {  	s18 =	simm.s32 $0x20;
	v2 =	vld.idx.msk [tilespmem:v4+s14+$0x0], $0xffff  }
0x9a: {  	v5 =	vmov s18;
	s18 =	simm.s32 $0x30;
	v4 =	vadd.f32 v7, v6  }
.LBB2_8:
0x9b: {  	p0 =	sne.s32 s18, $0x70;
	v5 =	vshll.u32 v5, $0x4  }
0x9c: {  	v5 =	vor.u32 v1, v5;
	v3 =	vadd.f32 v3, v4;
	_ =	sdelay $0x1  }
0x9d: {  	v4 =	vor.u32 $0x1, v5;
	v2 =	vadd.f32 v2, v3  }
0x9e: {  	s17 =	sadd.s32 $0x10, s17  }
0x9f: {  	v3 =	vor.u32 $0x2, v5;
	[tilespmem:s17+$0x0] =	vst v2  }
0xa0: {  	v2 =	vld.idx.msk [tilespmem:v5+s14+$0x0], $0xffff  }
0xa1: {  	v6 =	vor.u32 $0x3, v5  }
0xa2: {  	v4 =	vld.idx.msk [tilespmem:v4+s14+$0x0], $0xffff  }
0xa3: {  	v7 =	vor.u32 $0x4, v5  }
0xa4: {  	v3 =	vld.idx.msk [tilespmem:v3+s14+$0x0], $0xffff  }
0xa5: {  	v8 =	vor.u32 $0x5, v5  }
0xa6: {  	v2 =	vadd.f32 $0.0e+00, v2;
	v6 =	vld.idx.msk [tilespmem:v6+s14+$0x0], $0xffff  }
0xa7: {  	v9 =	vor.u32 $0x6, v5  }
0xa8: {  	v2 =	vadd.f32 v4, v2;
	v4 =	vld.idx.msk [tilespmem:v7+s14+$0x0], $0xffff  }
0xa9: {  	v7 =	vor.u32 $0x7, v5  }
0xaa: {  	v2 =	vadd.f32 v3, v2;
	v3 =	vld.idx.msk [tilespmem:v8+s14+$0x0], $0xffff  }
0xab: {  	v8 =	vor.u32 $0x8, v5  }
0xac: {  	v2 =	vadd.f32 v6, v2;
	v6 =	vld.idx.msk [tilespmem:v9+s14+$0x0], $0xffff  }
0xad: {  	v9 =	vor.u32 $0x9, v5  }
0xae: {  	v2 =	vadd.f32 v4, v2;
	v4 =	vld.idx.msk [tilespmem:v7+s14+$0x0], $0xffff  }
0xaf: {  	v7 =	vor.u32 $0xA, v5  }
0xb0: {  	v2 =	vadd.f32 v3, v2;
	v3 =	vld.idx.msk [tilespmem:v8+s14+$0x0], $0xffff  }
0xb1: {  	v8 =	vor.u32 $0xB, v5  }
0xb2: {  	v2 =	vadd.f32 v6, v2;
	v6 =	vld.idx.msk [tilespmem:v9+s14+$0x0], $0xffff  }
0xb3: {  	v9 =	vor.u32 $0xC, v5  }
0xb4: {  	v2 =	vadd.f32 v4, v2;
	v4 =	vld.idx.msk [tilespmem:v7+s14+$0x0], $0xffff  }
0xb5: {  	v7 =	vor.u32 $0xD, v5  }
0xb6: {  	v2 =	vadd.f32 v3, v2;
	v3 =	vld.idx.msk [tilespmem:v8+s14+$0x0], $0xffff  }
0xb7: {  	v8 =	vor.u32 $0xE, v5  }
0xb8: {  	v2 =	vadd.f32 v6, v2;
	v6 =	vld.idx.msk [tilespmem:v9+s14+$0x0], $0xffff  }
0xb9: {  	v5 =	vor.u32 $0xF, v5  }
0xba: {  	v2 =	vadd.f32 v4, v2;
	v4 =	vld.idx.msk [tilespmem:v7+s14+$0x0], $0xffff;
	_ =	sdelay $0x1  }
.Ltmp3:
0xbb: {  	v2 =	vadd.f32 v3, v2;
	v3 =	vld.idx.msk [tilespmem:v8+s14+$0x0], $0xffff;
	(pc) =	sbr.rel @p0 .LBB2_8-.Ltmp3, $3  }
0xbc: {  	_ = 	snop  }
0xbd: {  	v6 =	vadd.f32 v6, v2;
	v2 =	vld.idx.msk [tilespmem:v5+s14+$0x0], $0xffff;
	_ =	sdelay $0x1  }
0xbe: {  	v5 =	vmov s18;
	s18 =	sadd.s32 $0x10, s18;
	v4 =	vadd.f32 v4, v6  }
0xbf: {  	v5 =	vshll.u32 v5, $0x4  }
0xc0: {  	v5 =	vor.u32 v1, v5;
	v3 =	vadd.f32 v3, v4;
	_ =	sdelay $0x1  }
0xc1: {  	v48 =	vor.u32 $0x1, v5;
	v2 =	vadd.f32 v2, v3  }
0xc2: {  	s17 =	sadd.s32 $0x10, s17  }
0xc3: {  	v3 =	vor.u32 $0x2, v5;
	[tilespmem:s17+$0x0] =	vst v2  }
0xc4: {  	v2 =	vld.idx.msk [tilespmem:v5+s14+$0x0], $0xffff  }
0xc5: {  	v6 =	vor.u32 $0x3, v5  }
0xc6: {  	v4 =	vld.idx.msk [tilespmem:v48+s14+$0x0], $0xffff  }
0xc7: {  	v7 =	vor.u32 $0x4, v5  }
0xc8: {  	v3 =	vld.idx.msk [tilespmem:v3+s14+$0x0], $0xffff  }
0xc9: {  	v8 =	vor.u32 $0x5, v5;
	v2 =	vadd.f32 $0.0e+00, v2  }
0xca: {  	v6 =	vld.idx.msk [tilespmem:v6+s14+$0x0], $0xffff  }
0xcb: {  	v9 =	vor.u32 $0x6, v5;
	v2 =	vadd.f32 v4, v2  }
0xcc: {  	v49 =	vld.idx.msk [tilespmem:v7+s14+$0x0], $0xffff  }
0xcd: {  	v50 =	vor.u32 $0x7, v5;
	v2 =	vadd.f32 v3, v2  }
0xce: {  	v3 =	vld.idx.msk [tilespmem:v8+s14+$0x0], $0xffff  }
0xcf: {  	v51 =	vor.u32 $0x8, v5;
	v2 =	vadd.f32 v6, v2  }
0xd0: {  	v52 =	vld.idx.msk [tilespmem:v9+s14+$0x0], $0xffff  }
0xd1: {  	v53 =	vor.u32 $0x9, v5;
	v2 =	vadd.f32 v49, v2  }
0xd2: {  	v54 =	vld.idx.msk [tilespmem:v50+s14+$0x0], $0xffff  }
0xd3: {  	v55 =	vor.u32 $0xA, v5;
	v2 =	vadd.f32 v3, v2  }
0xd4: {  	v3 =	vld.idx.msk [tilespmem:v51+s14+$0x0], $0xffff  }
0xd5: {  	v56 =	vor.u32 $0xB, v5;
	v2 =	vadd.f32 v52, v2  }
0xd6: {  	v57 =	vld.idx.msk [tilespmem:v53+s14+$0x0], $0xffff  }
0xd7: {  	v58 =	vor.u32 $0xC, v5;
	v2 =	vadd.f32 v54, v2  }
0xd8: {  	v59 =	vld.idx.msk [tilespmem:v55+s14+$0x0], $0xffff  }
0xd9: {  	v60 =	vor.u32 $0xD, v5;
	v2 =	vadd.f32 v3, v2  }
0xda: {  	v3 =	vld.idx.msk [tilespmem:v56+s14+$0x0], $0xffff  }
0xdb: {  	v61 =	vor.u32 $0xE, v5;
	v2 =	vadd.f32 v57, v2  }
0xdc: {  	v62 =	vld.idx.msk [tilespmem:v58+s14+$0x0], $0xffff  }
0xdd: {  	v5 =	vor.u32 $0xF, v5;
	v2 =	vadd.f32 v59, v2  }
0xde: {  	v63 =	vld.idx.msk [tilespmem:v60+s14+$0x0], $0xffff  }
0xdf: {  	v2 =	vadd.f32 v3, v2  }
0xe0: {  	v3 =	vld.idx.msk [tilespmem:v61+s14+$0x0], $0xffff  }
0xe1: {  	v2 =	vadd.f32 v62, v2  }
0xe2: {  	v5 =	vld.idx.msk [tilespmem:v5+s14+$0x0], $0xffff  }
0xe3: {  	v2 =	vadd.f32 v63, v2;
	_ =	sdelay $0x1  }
0xe4: {  	v2 =	vadd.f32 v3, v2;
	_ =	sdelay $0x1  }
0xe5: {  	s16 =	sadd.s32 $0x1, s16;
	v2 =	vadd.f32 v5, v2  }
0xe6: {  	p0 =	sne.s32 s16, s8;
	s17 =	sadd.s32 $0x10, s17  }
.Ltmp4:
0xe7: {  	[tilespmem:s17+$0x0] =	vst v2;
	(pc) =	sbr.rel @p0 .LBB2_1-.Ltmp4, $4  }
0xe8: {  	[hbm4b:s7+s2] =	stream.linear.scatter [tilespmem:s15], [sflag:$0x2], $0x80, $0x38;
	[tilespmem:$0x1370] =	vst v63  }
0xe9: {  	_ =	swait.ge [sflag:s9], $0x80  }
0xea: {  	[sflag:s9] =	ssyncset.done $0x0  }
0xeb: {  	[sflag:s9] =	ssyncadd.s32 $0xFFFFFF80  }
0xec: {  	_ =	sfence.sel $0x180000  }
0xed: {  	[bflag:$0x0] =	sbarrier.arrive $0xFFFF  }
0xee: {  	p0 =	sne.s32 s1, $0x0;
	_ =	strace $0x9000004A  }
0xef: {  	s0 =	sadd.s32 @!p0 $0x100000, s0;
	[bflag:$0x2] =	sbarrier.arrive $0xFFFF  }
0xf0: {  	[sflag:s0] =	ssyncadd.tile.s32 @!p0 $0x1;
	_ =	shalt  }
.Lfunc_end2:
_tile_overlayer_lowered:
.L_overlay_start_2:
0xf1: {  	(tag) =	ssettag $0x2  }
0xf2: {  	s0 =	rddreg [dreg:$0x0];
	s2 =	stileid.u32  }
0xf3: {  	s1 =	rddreg [dreg:$0x1];
	p0 =	sne.s32 s2, $0x0  }
0xf4: {  	s3 =	rddreg [dreg:$0x2];
	[bflag:$0x3] =	sbarrier.arrive $0xFFFF;
	s2 =	simm.s32 @!p0 $0x1C02  }
0xf5: {  	[timem:s3], [sflag:s2] =	dma.local @!p0 [hbm:s0], s1  }
0xf6: {  	s0 =	simm.s32 @!p0 $0x2  }
0xf7: {  	_ =	swait.ge @!p0 [sflag:s0], s1  }
0xf8: {  	s1 =	ssub.s32 @!p0 $0x0, s1;
	[sflag:s0] =	ssyncset.done @!p0 $0x0  }
0xf9: {  	[sflag:s0] =	ssyncadd.s32 @!p0 s1  }
0xfa: {  	[bflag:$0x3] =	sbarrier.arrive $0xFFFF  }
0xfb: {  	_ =	shalt  }

</sc_bundles>
